<compile_context>
chip_gen: v7x
topology: tpu7x:2x2x1
jax: 0.10.2.dev20260603
libtpu: 0.0.44.dev20260713+nightly
codegen_flags: <defaults>
</compile_context>

<pallas_src>
import functools

import jax
import jax.numpy as jnp
from jax import lax
from jax.experimental import pallas as pl
from jax.experimental.pallas import tpu as pltpu
from jax.experimental.pallas import tpu_sc as plsc

B = 32
SEQ = 512
PRED = 192
D = 32
H = 4
CD = 32
K = 512
COMMIT_W = 1.0
ORTHO_W = 0.8

TOK = B * H * SEQ
_SC = plsc.get_sparse_core_info()
_NW = _SC.num_cores * _SC.num_subcores
_BPW = TOK // _NW


def _stage1_kernel(x_ref, w_in2_ref, b_in2_ref, cb_ref,
                   idx_ref, aux_ref, cnorm_ref):
    i = pl.program_id(0)

    @pl.when(i == 0)
    def _prep():
        for h in range(H):
            cbh = cb_ref[h]
            cnorm_ref[h, :] = jnp.sum(cbh * cbh, axis=1)

    xb = x_ref[0]
    last = xb[SEQ - 1:SEQ, :]
    x0 = xb - last
    xps = (jnp.dot(x0, w_in2_ref[...],
                   preferred_element_type=jnp.float32)
           + b_in2_ref[...])

    commit = jnp.sum(xps * xps) * 0.25
    iota = jax.lax.broadcasted_iota(jnp.int32, (SEQ, K), 1)
    for h in range(H):
        xhs = xps[:, h * CD:(h + 1) * CD]
        cb = cb_ref[h]
        dots2 = jnp.dot(xhs, cb.T,
                        preferred_element_type=jnp.float32)
        dist2 = dots2 - cnorm_ref[h:h + 1, :]
        m = jnp.max(dist2, axis=1, keepdims=True)
        idxh = jnp.min(jnp.where(dist2 == m, iota, K),
                       axis=1, keepdims=True)
        idx_ref[0, h] = idxh + h * K
        commit = commit - jnp.sum(m)

    lane = jax.lax.broadcasted_iota(jnp.int32, (128,), 0)
    aux_ref[0, 0, :] = jnp.where(lane == 0, commit, 0.0)

    @pl.when(i < H)
    def _ortho():
        cb = cb_ref[i]
        norm = jnp.sqrt(jnp.sum(cb * cb, axis=1, keepdims=True))
        normed = cb / norm
        cos = jnp.dot(normed, normed.T,
                      preferred_element_type=jnp.float32)
        osum = jnp.sum(cos * cos)
        aux_ref[0, 0, :] = (jnp.where(lane == 0, commit, 0.0)
                            + jnp.where(lane == 1, osum, 0.0))


@functools.partial(
    pl.kernel,
    mesh=plsc.VectorSubcoreMesh(core_axis_name="c", subcore_axis_name="s"),
    out_type=jax.ShapeDtypeStruct((TOK, 128), jnp.float32),
    scratch_types=[
        pltpu.VMEM((_BPW,), jnp.int32),
        pltpu.VMEM((512, 128), jnp.float32),
        pltpu.SemaphoreType.DMA,
    ],
)
def _sc_gather(table_hbm, idx_hbm, out_hbm, idx_v, rows_v, sem):
    wid = lax.axis_index("s") * _SC.num_cores + lax.axis_index("c")
    base = wid * _BPW
    pltpu.sync_copy(idx_hbm.at[pl.ds(base, _BPW)], idx_v)
    for chunk in range(_BPW // 512):
        pltpu.async_copy(
            table_hbm.at[idx_v.at[pl.ds(chunk * 512, 512)]],
            rows_v, sem).wait()
        pltpu.sync_copy(rows_v,
                        out_hbm.at[pl.ds(base + chunk * 512, 512)])


def _stage3_kernel(quant_ref, xlast_ref, w_out_ref, b_out_ref,
                   w_lin_ref, b_lin_ref, out_ref):
    qh = quant_ref[0]
    q = jnp.concatenate([qh[h][:, :CD] for h in range(H)],
                        axis=1)
    qo = (jnp.dot(q, w_out_ref[...],
                  preferred_element_type=jnp.float32)
          + b_out_ref[...])
    y = jnp.dot(w_lin_ref[...], qo,
                preferred_element_type=jnp.float32)
    out_ref[0] = y + b_lin_ref[...] + xlast_ref[0]


@jax.jit
def kernel(x, W_in, b_in, W_out, b_out, codebook, W_lin, b_lin):
    idx, aux = pl.pallas_call(
        _stage1_kernel,
        grid=(B,),
        in_specs=[
            pl.BlockSpec((1, SEQ, D), lambda i: (i, 0, 0)),
            pl.BlockSpec((D, H * CD), lambda i: (0, 0)),
            pl.BlockSpec((1, H * CD), lambda i: (0, 0)),
            pl.BlockSpec((H, K, CD), lambda i: (0, 0, 0)),
        ],
        out_specs=[
            pl.BlockSpec((1, H, SEQ, 1), lambda i: (i, 0, 0, 0)),
            pl.BlockSpec((1, 1, 128), lambda i: (i, 0, 0)),
        ],
        out_shape=[
            jax.ShapeDtypeStruct((B, H, SEQ, 1), jnp.int32),
            jax.ShapeDtypeStruct((B, 1, 128), jnp.float32),
        ],
        scratch_shapes=[pltpu.VMEM((H, K), jnp.float32)],
    )(x, W_in + W_in, (b_in + b_in).reshape(1, H * CD), codebook)

    table = jnp.pad(codebook.reshape(H * K, CD), ((0, 0), (0, 128 - CD)))
    quant = _sc_gather(table, idx.reshape(TOK))

    out = pl.pallas_call(
        _stage3_kernel,
        grid=(B,),
        in_specs=[
            pl.BlockSpec((1, H, SEQ, 128), lambda i: (i, 0, 0, 0)),
            pl.BlockSpec((1, 1, D), lambda i: (i, 0, 0)),
            pl.BlockSpec((H * CD, D), lambda i: (0, 0)),
            pl.BlockSpec((1, D), lambda i: (0, 0)),
            pl.BlockSpec((PRED, SEQ), lambda i: (0, 0)),
            pl.BlockSpec((PRED, 1), lambda i: (0, 0)),
        ],
        out_specs=pl.BlockSpec((1, PRED, D), lambda i: (i, 0, 0)),
        out_shape=jax.ShapeDtypeStruct((B, PRED, D), jnp.float32),
    )(quant.reshape(B, H, SEQ, 128), x[:, -1:, :],
      W_out, b_out.reshape(1, D), W_lin, b_lin.reshape(PRED, 1))

    commit = jnp.sum(aux[:, 0, 0]) / (B * H * SEQ * CD)
    ortho = jnp.sum(aux[:H, 0, 1]) / (H * K * K) - 1.0 / K
    loss = COMMIT_W * commit + ORTHO_W * ortho
    return out, loss

# --- scband reference (transcript-rebuilt; emitter-appended) ---
"""Pipeline reference for scband-model-46136538693975 (READ-ONLY COPY).

The authoritative reference and input builder live on the scoring server;
editing this copy changes nothing except your own understanding.
"""

import jax, jax.numpy as jnp
import numpy as np

B = 32
SEQ = 512
PRED = 192
D = 32
H = 4
CD = 32
K = 512
COMMIT_W = 1.0
ORTHO_W = 0.8


def setup_inputs(seed: int = 0):
    key = jax.random.key(seed)
    ks = jax.random.split(key, 8)
    x = jax.random.normal(ks[0], (B, SEQ, D), dtype=jnp.float32)
    W_in = jax.random.normal(ks[1], (D, H * CD), dtype=jnp.float32) / np.sqrt(D)
    b_in = jnp.zeros((H * CD,), dtype=jnp.float32)
    W_out = jax.random.normal(ks[2], (H * CD, D), dtype=jnp.float32) / np.sqrt(H * CD)
    b_out = jnp.zeros((D,), dtype=jnp.float32)
    codebook = jax.random.normal(ks[3], (H, K, CD), dtype=jnp.float32)
    W_lin = jax.random.normal(ks[4], (PRED, SEQ), dtype=jnp.float32) / np.sqrt(SEQ)
    b_lin = jnp.zeros((PRED,), dtype=jnp.float32)
    return {"x": x, "W_in": W_in, "b_in": b_in, "W_out": W_out, "b_out": b_out,
            "codebook": codebook, "W_lin": W_lin, "b_lin": b_lin}


def _forward(x, W_in, b_in, W_out, b_out, codebook, W_lin, b_lin):
    # Normalization: subtract last timestep (detached)
    seq_last = jax.lax.stop_gradient(x[:, -1:, :])
    x0 = x - seq_last
    b, n, _ = x0.shape
    # VectorQuantize: project_in (dim -> heads*codebook_dim), split heads
    xp = x0 @ W_in + b_in                      # [b, n, H*CD]
    xh = xp.reshape(b, n, H, CD).transpose(0, 2, 1, 3)  # 'b n (h d) -> b h n d'
    # Euclidean codebook distances (separate codebook per head)
    dist = (2.0 * jnp.einsum('bhnd,hkd->bhnk', xh, codebook)
            - jnp.sum(xh * xh, axis=-1, keepdims=True)
            - jnp.sum(codebook * codebook, axis=-1)[None, :, None, :])  # [b,h,n,K]
    indices = jnp.argmax(dist, axis=-1)        # [b, h, n]
    quantize = codebook[jnp.arange(H)[None, :, None], indices]  # gather -> [b,h,n,CD]
    # commitment loss (learnable_codebook=True -> quantize NOT detached)
    commit = jnp.mean((quantize - xh) ** 2)
    # orthogonal regularization on codebooks
    normed = codebook / jnp.linalg.norm(codebook, axis=-1, keepdims=True)
    cos = jnp.einsum('hid,hjd->hij', normed, normed)
    ortho = jnp.sum(cos ** 2) / (H * K * K) - 1.0 / K
    loss = COMMIT_W * commit + ORTHO_W * ortho
    # straight-through estimator
    q_st = xh + jax.lax.stop_gradient(quantize - xh)
    # merge heads 'b h n d -> b n (h d)' and project_out
    q = q_st.transpose(0, 2, 1, 3).reshape(b, n, H * CD)
    q = q @ W_out + b_out                      # [b, n, D]
    # Linear over time axis: permute, Linear(seq_len->pred_len), permute back
    y = jnp.einsum('bdn,pn->bdp', q.transpose(0, 2, 1), W_lin) + b_lin
    y = y.transpose(0, 2, 1)                   # [b, pred_len, D]
    out = y + seq_last
    return out, loss


def reference(x, W_in, b_in, W_out, b_out, codebook, W_lin, b_lin):
    return _forward(x, W_in, b_in, W_out, b_out, codebook, W_lin, b_lin)

if __name__ == "__main__":
    import jax
    _d = setup_inputs()
    print(jax.jit(kernel)(*tuple(_d.values())))

</pallas_src>

<mosaic_0001>
#map = affine_map<(d0, d1) -> (0, 0)>
#map1 = affine_map<(d0, d1) -> (0)>
module attributes {stable_mosaic.version = 14 : i64} {
  func.func @_sc_gather(%arg0: i32, %arg1: i32, %arg2: memref<2048x128xf32, #tpu.memory_space<hbm>>, %arg3: memref<65536xi32, #tpu.memory_space<hbm>>, %arg4: memref<65536x128xf32, #tpu.memory_space<hbm>>, %arg5: memref<2048xi32, #tpu.memory_space<vmem>>, %arg6: memref<512x128xf32, #tpu.memory_space<vmem>>, %arg7: memref<!tpu.dma_semaphore, #tpu.memory_space<semaphore_mem>>) attributes {dimension_semantics = [#tpu.dimension_semantics<core_parallel>, #tpu.dimension_semantics<subcore_parallel>], iteration_bounds = array<i64: 2, 16>, scalar_prefetch = 0 : i64, scratch_operands = 3 : i64, tpu.core_type = #tpu.core_type<sc_vector_subcore>, window_params = [{transform_indices = #map}, {transform_indices = #map1}, {transform_indices = #map}]} {
    %mul3A = arith.constant 2 : i32
    %mul3A_0 = arith.muli %arg1, %mul3A : i32
    %add3A = arith.addi %mul3A_0, %arg0 : i32
    %mul3A_1 = arith.constant 2048 : i32
    %mul3A_2 = arith.muli %add3A, %mul3A_1 : i32
    "tpu.region"() ({
      %run_scoped3A = tpu.sem_alloc : memref<!tpu.dma_semaphore, #tpu.memory_space<semaphore_mem>>
      %dma_start3A_49 = tpu.memref_slice %arg3[%mul3A_2] : memref<65536xi32, #tpu.memory_space<hbm>> -> memref<2048xi32, #tpu.memory_space<hbm>>
      %dma_start3A_50 = tpu.memref_slice %arg3[%mul3A_2] : memref<65536xi32, #tpu.memory_space<hbm>> -> memref<2048xi32, #tpu.memory_space<hbm>>
      tpu.enqueue_dma source(%dma_start3A_50 : memref<2048xi32, #tpu.memory_space<hbm>>) target(%arg5 : memref<2048xi32, #tpu.memory_space<vmem>>) target_semaphore(%run_scoped3A : memref<!tpu.dma_semaphore, #tpu.memory_space<semaphore_mem>>)
      %dma_wait3A_51 = tpu.memref_slice %arg3[%mul3A_2] : memref<65536xi32, #tpu.memory_space<hbm>> -> memref<2048xi32, #tpu.memory_space<hbm>>
      %dma_wait3A_52 = tpu.memref_slice %arg3[%mul3A_2] : memref<65536xi32, #tpu.memory_space<hbm>> -> memref<2048xi32, #tpu.memory_space<hbm>>
      tpu.wait_dma2 semaphore(%run_scoped3A : memref<!tpu.dma_semaphore, #tpu.memory_space<semaphore_mem>>) src(%dma_wait3A_52 : memref<2048xi32, #tpu.memory_space<hbm>>) dst(%arg5 : memref<2048xi32, #tpu.memory_space<vmem>>)
      tpu.yield
    }) : () -> ()
    %dma_start3A = arith.constant 0 : i32
    %dma_start3A_3 = tpu.memref_slice %arg5[%dma_start3A] : memref<2048xi32, #tpu.memory_space<vmem>> -> memref<512xi32, #tpu.memory_space<vmem>>
    %dma_start3A_4 = arith.constant 0 : i32
    %dma_start3A_5 = arith.constant 0 : i32
    %dma_start3A_6 = tpu.memref_slice %arg2[%dma_start3A_4, %dma_start3A_5] : memref<2048x128xf32, #tpu.memory_space<hbm>> -> memref<2048x128xf32, #tpu.memory_space<hbm>>
    tpu.enqueue_indirect_dma source(%dma_start3A_6 : memref<2048x128xf32, #tpu.memory_space<hbm>>) target(%arg6 : memref<512x128xf32, #tpu.memory_space<vmem>>) offsets(%dma_start3A_3 : memref<512xi32, #tpu.memory_space<vmem>>) semaphore(%arg7 : memref<!tpu.dma_semaphore, #tpu.memory_space<semaphore_mem>>)
    %dma_wait3A = arith.constant 0 : i32
    %dma_wait3A_7 = tpu.memref_slice %arg5[%dma_wait3A] : memref<2048xi32, #tpu.memory_space<vmem>> -> memref<512xi32, #tpu.memory_space<vmem>>
    %dma_wait3A_8 = arith.constant 0 : i32
    %dma_wait3A_9 = arith.constant 0 : i32
    %dma_wait3A_10 = tpu.memref_slice %arg2[%dma_wait3A_8, %dma_wait3A_9] : memref<2048x128xf32, #tpu.memory_space<hbm>> -> memref<2048x128xf32, #tpu.memory_space<hbm>>
    tpu.wait_indirect_dma semaphore(%arg7 : memref<!tpu.dma_semaphore, #tpu.memory_space<semaphore_mem>>) src(%dma_wait3A_10 : memref<2048x128xf32, #tpu.memory_space<hbm>>) dst(%arg6 : memref<512x128xf32, #tpu.memory_space<vmem>>)
    %add3A_11 = arith.constant 0 : i32
    %add3A_12 = arith.addi %mul3A_2, %add3A_11 : i32
    "tpu.region"() ({
      %run_scoped3A = tpu.sem_alloc : memref<!tpu.dma_semaphore, #tpu.memory_space<semaphore_mem>>
      %dma_start3A_49 = arith.constant 0 : i32
      %dma_start3A_50 = tpu.memref_slice %arg4[%add3A_12, %dma_start3A_49] : memref<65536x128xf32, #tpu.memory_space<hbm>> -> memref<512x128xf32, #tpu.memory_space<hbm>>
      %dma_start3A_51 = arith.constant 0 : i32
      %dma_start3A_52 = tpu.memref_slice %arg4[%add3A_12, %dma_start3A_51] : memref<65536x128xf32, #tpu.memory_space<hbm>> -> memref<512x128xf32, #tpu.memory_space<hbm>>
      tpu.enqueue_dma source(%arg6 : memref<512x128xf32, #tpu.memory_space<vmem>>) target(%dma_start3A_52 : memref<512x128xf32, #tpu.memory_space<hbm>>) target_semaphore(%run_scoped3A : memref<!tpu.dma_semaphore, #tpu.memory_space<semaphore_mem>>)
      %dma_wait3A_53 = arith.constant 0 : i32
      %dma_wait3A_54 = tpu.memref_slice %arg4[%add3A_12, %dma_wait3A_53] : memref<65536x128xf32, #tpu.memory_space<hbm>> -> memref<512x128xf32, #tpu.memory_space<hbm>>
      %dma_wait3A_55 = arith.constant 0 : i32
      %dma_wait3A_56 = tpu.memref_slice %arg4[%add3A_12, %dma_wait3A_55] : memref<65536x128xf32, #tpu.memory_space<hbm>> -> memref<512x128xf32, #tpu.memory_space<hbm>>
      tpu.wait_dma2 semaphore(%run_scoped3A : memref<!tpu.dma_semaphore, #tpu.memory_space<semaphore_mem>>) src(%arg6 : memref<512x128xf32, #tpu.memory_space<vmem>>) dst(%dma_wait3A_56 : memref<512x128xf32, #tpu.memory_space<hbm>>)
      tpu.yield
    }) : () -> ()
    %dma_start3A_13 = arith.constant 512 : i32
    %dma_start3A_14 = tpu.memref_slice %arg5[%dma_start3A_13] : memref<2048xi32, #tpu.memory_space<vmem>> -> memref<512xi32, #tpu.memory_space<vmem>>
    %dma_start3A_15 = arith.constant 0 : i32
    %dma_start3A_16 = arith.constant 0 : i32
    %dma_start3A_17 = tpu.memref_slice %arg2[%dma_start3A_15, %dma_start3A_16] : memref<2048x128xf32, #tpu.memory_space<hbm>> -> memref<2048x128xf32, #tpu.memory_space<hbm>>
    tpu.enqueue_indirect_dma source(%dma_start3A_17 : memref<2048x128xf32, #tpu.memory_space<hbm>>) target(%arg6 : memref<512x128xf32, #tpu.memory_space<vmem>>) offsets(%dma_start3A_14 : memref<512xi32, #tpu.memory_space<vmem>>) semaphore(%arg7 : memref<!tpu.dma_semaphore, #tpu.memory_space<semaphore_mem>>)
    %dma_wait3A_18 = arith.constant 512 : i32
    %dma_wait3A_19 = tpu.memref_slice %arg5[%dma_wait3A_18] : memref<2048xi32, #tpu.memory_space<vmem>> -> memref<512xi32, #tpu.memory_space<vmem>>
    %dma_wait3A_20 = arith.constant 0 : i32
    %dma_wait3A_21 = arith.constant 0 : i32
    %dma_wait3A_22 = tpu.memref_slice %arg2[%dma_wait3A_20, %dma_wait3A_21] : memref<2048x128xf32, #tpu.memory_space<hbm>> -> memref<2048x128xf32, #tpu.memory_space<hbm>>
    tpu.wait_indirect_dma semaphore(%arg7 : memref<!tpu.dma_semaphore, #tpu.memory_space<semaphore_mem>>) src(%dma_wait3A_22 : memref<2048x128xf32, #tpu.memory_space<hbm>>) dst(%arg6 : memref<512x128xf32, #tpu.memory_space<vmem>>)
    %add3A_23 = arith.constant 512 : i32
    %add3A_24 = arith.addi %mul3A_2, %add3A_23 : i32
    "tpu.region"() ({
      %run_scoped3A = tpu.sem_alloc : memref<!tpu.dma_semaphore, #tpu.memory_space<semaphore_mem>>
      %dma_start3A_49 = arith.constant 0 : i32
      %dma_start3A_50 = tpu.memref_slice %arg4[%add3A_24, %dma_start3A_49] : memref<65536x128xf32, #tpu.memory_space<hbm>> -> memref<512x128xf32, #tpu.memory_space<hbm>>
      %dma_start3A_51 = arith.constant 0 : i32
      %dma_start3A_52 = tpu.memref_slice %arg4[%add3A_24, %dma_start3A_51] : memref<65536x128xf32, #tpu.memory_space<hbm>> -> memref<512x128xf32, #tpu.memory_space<hbm>>
      tpu.enqueue_dma source(%arg6 : memref<512x128xf32, #tpu.memory_space<vmem>>) target(%dma_start3A_52 : memref<512x128xf32, #tpu.memory_space<hbm>>) target_semaphore(%run_scoped3A : memref<!tpu.dma_semaphore, #tpu.memory_space<semaphore_mem>>)
      %dma_wait3A_53 = arith.constant 0 : i32
      %dma_wait3A_54 = tpu.memref_slice %arg4[%add3A_24, %dma_wait3A_53] : memref<65536x128xf32, #tpu.memory_space<hbm>> -> memref<512x128xf32, #tpu.memory_space<hbm>>
      %dma_wait3A_55 = arith.constant 0 : i32
      %dma_wait3A_56 = tpu.memref_slice %arg4[%add3A_24, %dma_wait3A_55] : memref<65536x128xf32, #tpu.memory_space<hbm>> -> memref<512x128xf32, #tpu.memory_space<hbm>>
      tpu.wait_dma2 semaphore(%run_scoped3A : memref<!tpu.dma_semaphore, #tpu.memory_space<semaphore_mem>>) src(%arg6 : memref<512x128xf32, #tpu.memory_space<vmem>>) dst(%dma_wait3A_56 : memref<512x128xf32, #tpu.memory_space<hbm>>)
      tpu.yield
    }) : () -> ()
    %dma_start3A_25 = arith.constant 1024 : i32
    %dma_start3A_26 = tpu.memref_slice %arg5[%dma_start3A_25] : memref<2048xi32, #tpu.memory_space<vmem>> -> memref<512xi32, #tpu.memory_space<vmem>>
    %dma_start3A_27 = arith.constant 0 : i32
    %dma_start3A_28 = arith.constant 0 : i32
    %dma_start3A_29 = tpu.memref_slice %arg2[%dma_start3A_27, %dma_start3A_28] : memref<2048x128xf32, #tpu.memory_space<hbm>> -> memref<2048x128xf32, #tpu.memory_space<hbm>>
    tpu.enqueue_indirect_dma source(%dma_start3A_29 : memref<2048x128xf32, #tpu.memory_space<hbm>>) target(%arg6 : memref<512x128xf32, #tpu.memory_space<vmem>>) offsets(%dma_start3A_26 : memref<512xi32, #tpu.memory_space<vmem>>) semaphore(%arg7 : memref<!tpu.dma_semaphore, #tpu.memory_space<semaphore_mem>>)
    %dma_wait3A_30 = arith.constant 1024 : i32
    %dma_wait3A_31 = tpu.memref_slice %arg5[%dma_wait3A_30] : memref<2048xi32, #tpu.memory_space<vmem>> -> memref<512xi32, #tpu.memory_space<vmem>>
    %dma_wait3A_32 = arith.constant 0 : i32
    %dma_wait3A_33 = arith.constant 0 : i32
    %dma_wait3A_34 = tpu.memref_slice %arg2[%dma_wait3A_32, %dma_wait3A_33] : memref<2048x128xf32, #tpu.memory_space<hbm>> -> memref<2048x128xf32, #tpu.memory_space<hbm>>
    tpu.wait_indirect_dma semaphore(%arg7 : memref<!tpu.dma_semaphore, #tpu.memory_space<semaphore_mem>>) src(%dma_wait3A_34 : memref<2048x128xf32, #tpu.memory_space<hbm>>) dst(%arg6 : memref<512x128xf32, #tpu.memory_space<vmem>>)
    %add3A_35 = arith.constant 1024 : i32
    %add3A_36 = arith.addi %mul3A_2, %add3A_35 : i32
    "tpu.region"() ({
      %run_scoped3A = tpu.sem_alloc : memref<!tpu.dma_semaphore, #tpu.memory_space<semaphore_mem>>
      %dma_start3A_49 = arith.constant 0 : i32
      %dma_start3A_50 = tpu.memref_slice %arg4[%add3A_36, %dma_start3A_49] : memref<65536x128xf32, #tpu.memory_space<hbm>> -> memref<512x128xf32, #tpu.memory_space<hbm>>
      %dma_start3A_51 = arith.constant 0 : i32
      %dma_start3A_52 = tpu.memref_slice %arg4[%add3A_36, %dma_start3A_51] : memref<65536x128xf32, #tpu.memory_space<hbm>> -> memref<512x128xf32, #tpu.memory_space<hbm>>
      tpu.enqueue_dma source(%arg6 : memref<512x128xf32, #tpu.memory_space<vmem>>) target(%dma_start3A_52 : memref<512x128xf32, #tpu.memory_space<hbm>>) target_semaphore(%run_scoped3A : memref<!tpu.dma_semaphore, #tpu.memory_space<semaphore_mem>>)
      %dma_wait3A_53 = arith.constant 0 : i32
      %dma_wait3A_54 = tpu.memref_slice %arg4[%add3A_36, %dma_wait3A_53] : memref<65536x128xf32, #tpu.memory_space<hbm>> -> memref<512x128xf32, #tpu.memory_space<hbm>>
      %dma_wait3A_55 = arith.constant 0 : i32
      %dma_wait3A_56 = tpu.memref_slice %arg4[%add3A_36, %dma_wait3A_55] : memref<65536x128xf32, #tpu.memory_space<hbm>> -> memref<512x128xf32, #tpu.memory_space<hbm>>
      tpu.wait_dma2 semaphore(%run_scoped3A : memref<!tpu.dma_semaphore, #tpu.memory_space<semaphore_mem>>) src(%arg6 : memref<512x128xf32, #tpu.memory_space<vmem>>) dst(%dma_wait3A_56 : memref<512x128xf32, #tpu.memory_space<hbm>>)
      tpu.yield
    }) : () -> ()
    %dma_start3A_37 = arith.constant 1536 : i32
    %dma_start3A_38 = tpu.memref_slice %arg5[%dma_start3A_37] : memref<2048xi32, #tpu.memory_space<vmem>> -> memref<512xi32, #tpu.memory_space<vmem>>
    %dma_start3A_39 = arith.constant 0 : i32
    %dma_start3A_40 = arith.constant 0 : i32
    %dma_start3A_41 = tpu.memref_slice %arg2[%dma_start3A_39, %dma_start3A_40] : memref<2048x128xf32, #tpu.memory_space<hbm>> -> memref<2048x128xf32, #tpu.memory_space<hbm>>
    tpu.enqueue_indirect_dma source(%dma_start3A_41 : memref<2048x128xf32, #tpu.memory_space<hbm>>) target(%arg6 : memref<512x128xf32, #tpu.memory_space<vmem>>) offsets(%dma_start3A_38 : memref<512xi32, #tpu.memory_space<vmem>>) semaphore(%arg7 : memref<!tpu.dma_semaphore, #tpu.memory_space<semaphore_mem>>)
    %dma_wait3A_42 = arith.constant 1536 : i32
    %dma_wait3A_43 = tpu.memref_slice %arg5[%dma_wait3A_42] : memref<2048xi32, #tpu.memory_space<vmem>> -> memref<512xi32, #tpu.memory_space<vmem>>
    %dma_wait3A_44 = arith.constant 0 : i32
    %dma_wait3A_45 = arith.constant 0 : i32
    %dma_wait3A_46 = tpu.memref_slice %arg2[%dma_wait3A_44, %dma_wait3A_45] : memref<2048x128xf32, #tpu.memory_space<hbm>> -> memref<2048x128xf32, #tpu.memory_space<hbm>>
    tpu.wait_indirect_dma semaphore(%arg7 : memref<!tpu.dma_semaphore, #tpu.memory_space<semaphore_mem>>) src(%dma_wait3A_46 : memref<2048x128xf32, #tpu.memory_space<hbm>>) dst(%arg6 : memref<512x128xf32, #tpu.memory_space<vmem>>)
    %add3A_47 = arith.constant 1536 : i32
    %add3A_48 = arith.addi %mul3A_2, %add3A_47 : i32
    "tpu.region"() ({
      %run_scoped3A = tpu.sem_alloc : memref<!tpu.dma_semaphore, #tpu.memory_space<semaphore_mem>>
      %dma_start3A_49 = arith.constant 0 : i32
      %dma_start3A_50 = tpu.memref_slice %arg4[%add3A_48, %dma_start3A_49] : memref<65536x128xf32, #tpu.memory_space<hbm>> -> memref<512x128xf32, #tpu.memory_space<hbm>>
      %dma_start3A_51 = arith.constant 0 : i32
      %dma_start3A_52 = tpu.memref_slice %arg4[%add3A_48, %dma_start3A_51] : memref<65536x128xf32, #tpu.memory_space<hbm>> -> memref<512x128xf32, #tpu.memory_space<hbm>>
      tpu.enqueue_dma source(%arg6 : memref<512x128xf32, #tpu.memory_space<vmem>>) target(%dma_start3A_52 : memref<512x128xf32, #tpu.memory_space<hbm>>) target_semaphore(%run_scoped3A : memref<!tpu.dma_semaphore, #tpu.memory_space<semaphore_mem>>)
      %dma_wait3A_53 = arith.constant 0 : i32
      %dma_wait3A_54 = tpu.memref_slice %arg4[%add3A_48, %dma_wait3A_53] : memref<65536x128xf32, #tpu.memory_space<hbm>> -> memref<512x128xf32, #tpu.memory_space<hbm>>
      %dma_wait3A_55 = arith.constant 0 : i32
      %dma_wait3A_56 = tpu.memref_slice %arg4[%add3A_48, %dma_wait3A_55] : memref<65536x128xf32, #tpu.memory_space<hbm>> -> memref<512x128xf32, #tpu.memory_space<hbm>>
      tpu.wait_dma2 semaphore(%run_scoped3A : memref<!tpu.dma_semaphore, #tpu.memory_space<semaphore_mem>>) src(%arg6 : memref<512x128xf32, #tpu.memory_space<vmem>>) dst(%dma_wait3A_56 : memref<512x128xf32, #tpu.memory_space<hbm>>)
      tpu.yield
    }) : () -> ()
    return
  }
}

module attributes {stable_mosaic.version = 14 : i64} {
  func.func @_stage1_kernel(%arg0: i32, %arg1: memref<1x512x32xf32, #tpu.memory_space<vmem>>, %arg2: memref<32x128xf32, #tpu.memory_space<vmem>>, %arg3: memref<1x128xf32, #tpu.memory_space<vmem>>, %arg4: memref<4x512x32xf32, #tpu.memory_space<vmem>>, %arg5: memref<1x4x512x1xi32, #tpu.memory_space<vmem>>, %arg6: memref<1x1x128xf32, #tpu.memory_space<vmem>>, %arg7: memref<4x512xf32, #tpu.memory_space<vmem>>) attributes {dimension_semantics = [#tpu.dimension_semantics<arbitrary>], iteration_bounds = array<i64: 32>, scalar_prefetch = 0 : i64, scratch_operands = 1 : i64, tpu.core_type = #tpu.core_type<tc>, window_params = [{transform_indices = @transform_0, window_bounds = array<i64: 1, 512, 32>}, {pipeline_mode = #tpu.pipeline_mode<synchronous>, transform_indices = @transform_1, window_bounds = array<i64: 32, 128>}, {pipeline_mode = #tpu.pipeline_mode<synchronous>, transform_indices = @transform_2, window_bounds = array<i64: 1, 128>}, {pipeline_mode = #tpu.pipeline_mode<synchronous>, transform_indices = @transform_3, window_bounds = array<i64: 4, 512, 32>}, {transform_indices = @transform_4, window_bounds = array<i64: 1, 4, 512, 1>}, {transform_indices = @transform_5, window_bounds = array<i64: 1, 1, 128>}]} {
    %eq3A = arith.constant 0 : i32
    %eq3A_0 = arith.cmpi eq, %arg0, %eq3A : i32
    %convert_element_type3A = arith.extui %eq3A_0 : i1 to i32
    %cond3A = arith.constant 0 : i32
    %cond3A_1 = arith.cmpi ne, %convert_element_type3A, %cond3A : i32
    scf.if %cond3A_1 {
      %get3A_197 = arith.constant 0 : index
      %get3A_198 = arith.constant 0 : index
      %get3A_199 = arith.constant 0 : index
      %get3A_200 = vector.load %arg4[%get3A_197, %get3A_198, %get3A_199] : memref<4x512x32xf32, #tpu.memory_space<vmem>>, vector<1x512x32xf32>
      %get3A_201 = vector.shape_cast %get3A_200 : vector<1x512x32xf32> to vector<512x32xf32>
      %mul3A_202 = arith.mulf %get3A_201, %get3A_201 : vector<512x32xf32>
      %reduce_sum3A_203 = arith.constant dense<0.000000e+00> : vector<512xf32>
      %reduce_sum3A_204 = vector.multi_reduction <add>, %mul3A_202, %reduce_sum3A_203 [1] : vector<512x32xf32> to vector<512xf32>
      %swap3A_205 = arith.constant 0 : index
      %swap3A_206 = arith.constant 0 : index
      %swap3A_207 = vector.load %arg7[%swap3A_205, %swap3A_206] : memref<4x512xf32, #tpu.memory_space<vmem>>, vector<1x512xf32>
      %swap3A_208 = vector.shape_cast %swap3A_207 : vector<1x512xf32> to vector<512xf32>
      %swap3A_209 = vector.shape_cast %reduce_sum3A_204 : vector<512xf32> to vector<1x512xf32>
      tpu.vector_store %arg7[%swap3A_205, %swap3A_206], %swap3A_209 {strides = array<i32>} : memref<4x512xf32, #tpu.memory_space<vmem>>, vector<1x512xf32>,
      %get3A_210 = arith.constant 1 : index
      %get3A_211 = arith.constant 0 : index
      %get3A_212 = arith.constant 0 : index
      %get3A_213 = vector.load %arg4[%get3A_210, %get3A_211, %get3A_212] : memref<4x512x32xf32, #tpu.memory_space<vmem>>, vector<1x512x32xf32>
      %get3A_214 = vector.shape_cast %get3A_213 : vector<1x512x32xf32> to vector<512x32xf32>
      %mul3A_215 = arith.mulf %get3A_214, %get3A_214 : vector<512x32xf32>
      %reduce_sum3A_216 = arith.constant dense<0.000000e+00> : vector<512xf32>
      %reduce_sum3A_217 = vector.multi_reduction <add>, %mul3A_215, %reduce_sum3A_216 [1] : vector<512x32xf32> to vector<512xf32>
      %swap3A_218 = arith.constant 1 : index
      %swap3A_219 = arith.constant 0 : index
      %swap3A_220 = vector.load %arg7[%swap3A_218, %swap3A_219] : memref<4x512xf32, #tpu.memory_space<vmem>>, vector<1x512xf32>
      %swap3A_221 = vector.shape_cast %swap3A_220 : vector<1x512xf32> to vector<512xf32>
      %swap3A_222 = vector.shape_cast %reduce_sum3A_217 : vector<512xf32> to vector<1x512xf32>
      tpu.vector_store %arg7[%swap3A_218, %swap3A_219], %swap3A_222 {strides = array<i32>} : memref<4x512xf32, #tpu.memory_space<vmem>>, vector<1x512xf32>,
      %get3A_223 = arith.constant 2 : index
      %get3A_224 = arith.constant 0 : index
      %get3A_225 = arith.constant 0 : index
      %get3A_226 = vector.load %arg4[%get3A_223, %get3A_224, %get3A_225] : memref<4x512x32xf32, #tpu.memory_space<vmem>>, vector<1x512x32xf32>
      %get3A_227 = vector.shape_cast %get3A_226 : vector<1x512x32xf32> to vector<512x32xf32>
      %mul3A_228 = arith.mulf %get3A_227, %get3A_227 : vector<512x32xf32>
      %reduce_sum3A_229 = arith.constant dense<0.000000e+00> : vector<512xf32>
      %reduce_sum3A_230 = vector.multi_reduction <add>, %mul3A_228, %reduce_sum3A_229 [1] : vector<512x32xf32> to vector<512xf32>
      %swap3A_231 = arith.constant 2 : index
      %swap3A_232 = arith.constant 0 : index
      %swap3A_233 = vector.load %arg7[%swap3A_231, %swap3A_232] : memref<4x512xf32, #tpu.memory_space<vmem>>, vector<1x512xf32>
      %swap3A_234 = vector.shape_cast %swap3A_233 : vector<1x512xf32> to vector<512xf32>
      %swap3A_235 = vector.shape_cast %reduce_sum3A_230 : vector<512xf32> to vector<1x512xf32>
      tpu.vector_store %arg7[%swap3A_231, %swap3A_232], %swap3A_235 {strides = array<i32>} : memref<4x512xf32, #tpu.memory_space<vmem>>, vector<1x512xf32>,
      %get3A_236 = arith.constant 3 : index
      %get3A_237 = arith.constant 0 : index
      %get3A_238 = arith.constant 0 : index
      %get3A_239 = vector.load %arg4[%get3A_236, %get3A_237, %get3A_238] : memref<4x512x32xf32, #tpu.memory_space<vmem>>, vector<1x512x32xf32>
      %get3A_240 = vector.shape_cast %get3A_239 : vector<1x512x32xf32> to vector<512x32xf32>
      %mul3A_241 = arith.mulf %get3A_240, %get3A_240 : vector<512x32xf32>
      %reduce_sum3A_242 = arith.constant dense<0.000000e+00> : vector<512xf32>
      %reduce_sum3A_243 = vector.multi_reduction <add>, %mul3A_241, %reduce_sum3A_242 [1] : vector<512x32xf32> to vector<512xf32>
      %swap3A_244 = arith.constant 3 : index
      %swap3A_245 = arith.constant 0 : index
      %swap3A_246 = vector.load %arg7[%swap3A_244, %swap3A_245] : memref<4x512xf32, #tpu.memory_space<vmem>>, vector<1x512xf32>
      %swap3A_247 = vector.shape_cast %swap3A_246 : vector<1x512xf32> to vector<512xf32>
      %swap3A_248 = vector.shape_cast %reduce_sum3A_243 : vector<512xf32> to vector<1x512xf32>
      tpu.vector_store %arg7[%swap3A_244, %swap3A_245], %swap3A_248 {strides = array<i32>} : memref<4x512xf32, #tpu.memory_space<vmem>>, vector<1x512xf32>,
    } else {
    }
    %get3A = arith.constant 0 : index
    %get3A_2 = arith.constant 0 : index
    %get3A_3 = arith.constant 0 : index
    %get3A_4 = vector.load %arg1[%get3A, %get3A_2, %get3A_3] : memref<1x512x32xf32, #tpu.memory_space<vmem>>, vector<1x512x32xf32>
    %get3A_5 = vector.shape_cast %get3A_4 : vector<1x512x32xf32> to vector<512x32xf32>
    %slice3A = vector.extract_strided_slice %get3A_5 {offsets = [511, 0], sizes = [1, 32], strides = [1, 1]} : vector<512x32xf32> to vector<1x32xf32>
    %sub3A = vector.broadcast %slice3A : vector<1x32xf32> to vector<512x32xf32>
    %sub3A_6 = arith.subf %get3A_5, %sub3A : vector<512x32xf32>
    %get3A_7 = arith.constant 0 : index
    %get3A_8 = arith.constant 0 : index
    %get3A_9 = vector.load %arg2[%get3A_7, %get3A_8] : memref<32x128xf32, #tpu.memory_space<vmem>>, vector<32x128xf32>
    %dot_general3A = arith.constant dense<0.000000e+00> : vector<512x128xf32>
    %dot_general3A_10 = tpu.matmul %sub3A_6, %get3A_9, %dot_general3A {dimension_numbers = #tpu.dot_dimension_numbers<[1], [0], [0], [1], [0, 0, 1, 1], [], []>, transpose_lhs_hint = false} : vector<512x32xf32>, vector<32x128xf32>, vector<512x128xf32> -> vector<512x128xf32>
    %get3A_11 = arith.constant 0 : index
    %get3A_12 = arith.constant 0 : index
    %get3A_13 = vector.load %arg3[%get3A_11, %get3A_12] : memref<1x128xf32, #tpu.memory_space<vmem>>, vector<1x128xf32>
    %add3A = vector.broadcast %get3A_13 : vector<1x128xf32> to vector<512x128xf32>
    %add3A_14 = arith.addf %dot_general3A_10, %add3A : vector<512x128xf32>
    %mul3A = arith.mulf %add3A_14, %add3A_14 : vector<512x128xf32>
    %reduce_sum3A = vector.shape_cast %mul3A : vector<512x128xf32> to vector<1x512x128xf32>
    %reduce_sum3A_15 = arith.constant dense<0.000000e+00> : vector<1xf32>
    %reduce_sum3A_16 = vector.multi_reduction <add>, %reduce_sum3A, %reduce_sum3A_15 [1, 2] : vector<1x512x128xf32> to vector<1xf32>
    %reduce_sum3A_17 = vector.shape_cast %reduce_sum3A_16 : vector<1xf32> to vector<1x1x1xf32>
    %reduce_sum3A_18 = vector.extract %reduce_sum3A_17[0, 0, 0] : f32 from vector<1x1x1xf32>
    %mul3A_19 = arith.constant 2.500000e-01 : f32
    %mul3A_20 = arith.mulf %reduce_sum3A_18, %mul3A_19 : f32
    %iota3A = tpu.iota {dimensions = array<i32: 1>} : vector<512x512xi32>
    %slice3A_21 = vector.extract_strided_slice %add3A_14 {offsets = [0, 0], sizes = [512, 32], strides = [1, 1]} : vector<512x128xf32> to vector<512x32xf32>
    %get3A_22 = arith.constant 0 : index
    %get3A_23 = arith.constant 0 : index
    %get3A_24 = arith.constant 0 : index
    %get3A_25 = vector.load %arg4[%get3A_22, %get3A_23, %get3A_24] : memref<4x512x32xf32, #tpu.memory_space<vmem>>, vector<1x512x32xf32>
    %get3A_26 = vector.shape_cast %get3A_25 : vector<1x512x32xf32> to vector<512x32xf32>
    %transpose3A = tpu.transpose %get3A_26, [1, 0] : vector<512x32xf32> -> vector<32x512xf32>
    %dot_general3A_27 = arith.constant dense<0.000000e+00> : vector<512x512xf32>
    %dot_general3A_28 = tpu.matmul %slice3A_21, %transpose3A, %dot_general3A_27 {dimension_numbers = #tpu.dot_dimension_numbers<[1], [0], [0], [1], [0, 0, 1, 1], [], []>, transpose_lhs_hint = false} : vector<512x32xf32>, vector<32x512xf32>, vector<512x512xf32> -> vector<512x512xf32>
    %get3A_29 = arith.constant 0 : index
    %get3A_30 = arith.constant 0 : index
    %get3A_31 = vector.load %arg7[%get3A_29, %get3A_30] : memref<4x512xf32, #tpu.memory_space<vmem>>, vector<1x512xf32>
    %sub3A_32 = vector.broadcast %get3A_31 : vector<1x512xf32> to vector<512x512xf32>
    %sub3A_33 = arith.subf %dot_general3A_28, %sub3A_32 : vector<512x512xf32>
    %reduce_max3A = arith.constant dense<0xFF800000> : vector<512xf32>
    %reduce_max3A_34 = vector.multi_reduction <maximumf>, %sub3A_33, %reduce_max3A [1] : vector<512x512xf32> to vector<512xf32>
    %broadcast_in_dim3A = vector.shape_cast %reduce_max3A_34 : vector<512xf32> to vector<512x1xf32>
    %eq3A_35 = vector.broadcast %broadcast_in_dim3A : vector<512x1xf32> to vector<512x512xf32>
    %eq3A_36 = arith.cmpf oeq, %sub3A_33, %eq3A_35 : vector<512x512xf32>
    %jit3A = arith.constant 512 : i32
    %broadcast_in_dim3A_37 = vector.broadcast %jit3A : i32 to vector<512x512xi32>
    %select_n3A = arith.select %eq3A_36, %iota3A, %broadcast_in_dim3A_37 : vector<512x512xi1>, vector<512x512xi32>
    %reduce_min3A = arith.constant dense<2147483647> : vector<512xi32>
    %reduce_min3A_38 = vector.multi_reduction <minsi>, %select_n3A, %reduce_min3A [1] : vector<512x512xi32> to vector<512xi32>
    %broadcast_in_dim3A_39 = vector.shape_cast %reduce_min3A_38 : vector<512xi32> to vector<512x1xi32>
    %add3A_40 = arith.constant 0 : i32
    %add3A_41 = vector.broadcast %add3A_40 : i32 to vector<512x1xi32>
    %add3A_42 = arith.addi %broadcast_in_dim3A_39, %add3A_41 : vector<512x1xi32>
    %swap3A = arith.constant 0 : index
    %swap3A_43 = arith.constant 0 : index
    %swap3A_44 = arith.constant 0 : index
    %swap3A_45 = arith.constant 0 : index
    %swap3A_46 = vector.load %arg5[%swap3A, %swap3A_43, %swap3A_44, %swap3A_45] : memref<1x4x512x1xi32, #tpu.memory_space<vmem>>, vector<1x1x512x1xi32>
    %swap3A_47 = vector.shape_cast %swap3A_46 : vector<1x1x512x1xi32> to vector<512x1xi32>
    %swap3A_48 = vector.shape_cast %add3A_42 : vector<512x1xi32> to vector<1x1x512x1xi32>
    tpu.vector_store %arg5[%swap3A, %swap3A_43, %swap3A_44, %swap3A_45], %swap3A_48 {strides = array<i32>} : memref<1x4x512x1xi32, #tpu.memory_space<vmem>>, vector<1x1x512x1xi32>,
    %reduce_sum3A_49 = vector.shape_cast %broadcast_in_dim3A : vector<512x1xf32> to vector<1x512x1xf32>
    %reduce_sum3A_50 = arith.constant dense<0.000000e+00> : vector<1xf32>
    %reduce_sum3A_51 = vector.multi_reduction <add>, %reduce_sum3A_49, %reduce_sum3A_50 [1, 2] : vector<1x512x1xf32> to vector<1xf32>
    %reduce_sum3A_52 = vector.shape_cast %reduce_sum3A_51 : vector<1xf32> to vector<1x1x1xf32>
    %reduce_sum3A_53 = vector.extract %reduce_sum3A_52[0, 0, 0] : f32 from vector<1x1x1xf32>
    %sub3A_54 = arith.subf %mul3A_20, %reduce_sum3A_53 : f32
    %slice3A_55 = vector.extract_strided_slice %add3A_14 {offsets = [0, 32], sizes = [512, 32], strides = [1, 1]} : vector<512x128xf32> to vector<512x32xf32>
    %get3A_56 = arith.constant 1 : index
    %get3A_57 = arith.constant 0 : index
    %get3A_58 = arith.constant 0 : index
    %get3A_59 = vector.load %arg4[%get3A_56, %get3A_57, %get3A_58] : memref<4x512x32xf32, #tpu.memory_space<vmem>>, vector<1x512x32xf32>
    %get3A_60 = vector.shape_cast %get3A_59 : vector<1x512x32xf32> to vector<512x32xf32>
    %transpose3A_61 = tpu.transpose %get3A_60, [1, 0] : vector<512x32xf32> -> vector<32x512xf32>
    %dot_general3A_62 = arith.constant dense<0.000000e+00> : vector<512x512xf32>
    %dot_general3A_63 = tpu.matmul %slice3A_55, %transpose3A_61, %dot_general3A_62 {dimension_numbers = #tpu.dot_dimension_numbers<[1], [0], [0], [1], [0, 0, 1, 1], [], []>, transpose_lhs_hint = false} : vector<512x32xf32>, vector<32x512xf32>, vector<512x512xf32> -> vector<512x512xf32>
    %get3A_64 = arith.constant 1 : index
    %get3A_65 = arith.constant 0 : index
    %get3A_66 = vector.load %arg7[%get3A_64, %get3A_65] : memref<4x512xf32, #tpu.memory_space<vmem>>, vector<1x512xf32>
    %sub3A_67 = vector.broadcast %get3A_66 : vector<1x512xf32> to vector<512x512xf32>
    %sub3A_68 = arith.subf %dot_general3A_63, %sub3A_67 : vector<512x512xf32>
    %reduce_max3A_69 = arith.constant dense<0xFF800000> : vector<512xf32>
    %reduce_max3A_70 = vector.multi_reduction <maximumf>, %sub3A_68, %reduce_max3A_69 [1] : vector<512x512xf32> to vector<512xf32>
    %broadcast_in_dim3A_71 = vector.shape_cast %reduce_max3A_70 : vector<512xf32> to vector<512x1xf32>
    %eq3A_72 = vector.broadcast %broadcast_in_dim3A_71 : vector<512x1xf32> to vector<512x512xf32>
    %eq3A_73 = arith.cmpf oeq, %sub3A_68, %eq3A_72 : vector<512x512xf32>
    %jit3A_74 = arith.constant 512 : i32
    %broadcast_in_dim3A_75 = vector.broadcast %jit3A_74 : i32 to vector<512x512xi32>
    %select_n3A_76 = arith.select %eq3A_73, %iota3A, %broadcast_in_dim3A_75 : vector<512x512xi1>, vector<512x512xi32>
    %reduce_min3A_77 = arith.constant dense<2147483647> : vector<512xi32>
    %reduce_min3A_78 = vector.multi_reduction <minsi>, %select_n3A_76, %reduce_min3A_77 [1] : vector<512x512xi32> to vector<512xi32>
    %broadcast_in_dim3A_79 = vector.shape_cast %reduce_min3A_78 : vector<512xi32> to vector<512x1xi32>
    %add3A_80 = arith.constant 512 : i32
    %add3A_81 = vector.broadcast %add3A_80 : i32 to vector<512x1xi32>
    %add3A_82 = arith.addi %broadcast_in_dim3A_79, %add3A_81 : vector<512x1xi32>
    %swap3A_83 = arith.constant 0 : index
    %swap3A_84 = arith.constant 1 : index
    %swap3A_85 = arith.constant 0 : index
    %swap3A_86 = arith.constant 0 : index
    %swap3A_87 = vector.load %arg5[%swap3A_83, %swap3A_84, %swap3A_85, %swap3A_86] : memref<1x4x512x1xi32, #tpu.memory_space<vmem>>, vector<1x1x512x1xi32>
    %swap3A_88 = vector.shape_cast %swap3A_87 : vector<1x1x512x1xi32> to vector<512x1xi32>
    %swap3A_89 = vector.shape_cast %add3A_82 : vector<512x1xi32> to vector<1x1x512x1xi32>
    tpu.vector_store %arg5[%swap3A_83, %swap3A_84, %swap3A_85, %swap3A_86], %swap3A_89 {strides = array<i32>} : memref<1x4x512x1xi32, #tpu.memory_space<vmem>>, vector<1x1x512x1xi32>,
    %reduce_sum3A_90 = vector.shape_cast %broadcast_in_dim3A_71 : vector<512x1xf32> to vector<1x512x1xf32>
    %reduce_sum3A_91 = arith.constant dense<0.000000e+00> : vector<1xf32>
    %reduce_sum3A_92 = vector.multi_reduction <add>, %reduce_sum3A_90, %reduce_sum3A_91 [1, 2] : vector<1x512x1xf32> to vector<1xf32>
    %reduce_sum3A_93 = vector.shape_cast %reduce_sum3A_92 : vector<1xf32> to vector<1x1x1xf32>
    %reduce_sum3A_94 = vector.extract %reduce_sum3A_93[0, 0, 0] : f32 from vector<1x1x1xf32>
    %sub3A_95 = arith.subf %sub3A_54, %reduce_sum3A_94 : f32
    %slice3A_96 = vector.extract_strided_slice %add3A_14 {offsets = [0, 64], sizes = [512, 32], strides = [1, 1]} : vector<512x128xf32> to vector<512x32xf32>
    %get3A_97 = arith.constant 2 : index
    %get3A_98 = arith.constant 0 : index
    %get3A_99 = arith.constant 0 : index
    %get3A_100 = vector.load %arg4[%get3A_97, %get3A_98, %get3A_99] : memref<4x512x32xf32, #tpu.memory_space<vmem>>, vector<1x512x32xf32>
    %get3A_101 = vector.shape_cast %get3A_100 : vector<1x512x32xf32> to vector<512x32xf32>
    %transpose3A_102 = tpu.transpose %get3A_101, [1, 0] : vector<512x32xf32> -> vector<32x512xf32>
    %dot_general3A_103 = arith.constant dense<0.000000e+00> : vector<512x512xf32>
    %dot_general3A_104 = tpu.matmul %slice3A_96, %transpose3A_102, %dot_general3A_103 {dimension_numbers = #tpu.dot_dimension_numbers<[1], [0], [0], [1], [0, 0, 1, 1], [], []>, transpose_lhs_hint = false} : vector<512x32xf32>, vector<32x512xf32>, vector<512x512xf32> -> vector<512x512xf32>
    %get3A_105 = arith.constant 2 : index
    %get3A_106 = arith.constant 0 : index
    %get3A_107 = vector.load %arg7[%get3A_105, %get3A_106] : memref<4x512xf32, #tpu.memory_space<vmem>>, vector<1x512xf32>
    %sub3A_108 = vector.broadcast %get3A_107 : vector<1x512xf32> to vector<512x512xf32>
    %sub3A_109 = arith.subf %dot_general3A_104, %sub3A_108 : vector<512x512xf32>
    %reduce_max3A_110 = arith.constant dense<0xFF800000> : vector<512xf32>
    %reduce_max3A_111 = vector.multi_reduction <maximumf>, %sub3A_109, %reduce_max3A_110 [1] : vector<512x512xf32> to vector<512xf32>
    %broadcast_in_dim3A_112 = vector.shape_cast %reduce_max3A_111 : vector<512xf32> to vector<512x1xf32>
    %eq3A_113 = vector.broadcast %broadcast_in_dim3A_112 : vector<512x1xf32> to vector<512x512xf32>
    %eq3A_114 = arith.cmpf oeq, %sub3A_109, %eq3A_113 : vector<512x512xf32>
    %jit3A_115 = arith.constant 512 : i32
    %broadcast_in_dim3A_116 = vector.broadcast %jit3A_115 : i32 to vector<512x512xi32>
    %select_n3A_117 = arith.select %eq3A_114, %iota3A, %broadcast_in_dim3A_116 : vector<512x512xi1>, vector<512x512xi32>
    %reduce_min3A_118 = arith.constant dense<2147483647> : vector<512xi32>
    %reduce_min3A_119 = vector.multi_reduction <minsi>, %select_n3A_117, %reduce_min3A_118 [1] : vector<512x512xi32> to vector<512xi32>
    %broadcast_in_dim3A_120 = vector.shape_cast %reduce_min3A_119 : vector<512xi32> to vector<512x1xi32>
    %add3A_121 = arith.constant 1024 : i32
    %add3A_122 = vector.broadcast %add3A_121 : i32 to vector<512x1xi32>
    %add3A_123 = arith.addi %broadcast_in_dim3A_120, %add3A_122 : vector<512x1xi32>
    %swap3A_124 = arith.constant 0 : index
    %swap3A_125 = arith.constant 2 : index
    %swap3A_126 = arith.constant 0 : index
    %swap3A_127 = arith.constant 0 : index
    %swap3A_128 = vector.load %arg5[%swap3A_124, %swap3A_125, %swap3A_126, %swap3A_127] : memref<1x4x512x1xi32, #tpu.memory_space<vmem>>, vector<1x1x512x1xi32>
    %swap3A_129 = vector.shape_cast %swap3A_128 : vector<1x1x512x1xi32> to vector<512x1xi32>
    %swap3A_130 = vector.shape_cast %add3A_123 : vector<512x1xi32> to vector<1x1x512x1xi32>
    tpu.vector_store %arg5[%swap3A_124, %swap3A_125, %swap3A_126, %swap3A_127], %swap3A_130 {strides = array<i32>} : memref<1x4x512x1xi32, #tpu.memory_space<vmem>>, vector<1x1x512x1xi32>,
    %reduce_sum3A_131 = vector.shape_cast %broadcast_in_dim3A_112 : vector<512x1xf32> to vector<1x512x1xf32>
    %reduce_sum3A_132 = arith.constant dense<0.000000e+00> : vector<1xf32>
    %reduce_sum3A_133 = vector.multi_reduction <add>, %reduce_sum3A_131, %reduce_sum3A_132 [1, 2] : vector<1x512x1xf32> to vector<1xf32>
    %reduce_sum3A_134 = vector.shape_cast %reduce_sum3A_133 : vector<1xf32> to vector<1x1x1xf32>
    %reduce_sum3A_135 = vector.extract %reduce_sum3A_134[0, 0, 0] : f32 from vector<1x1x1xf32>
    %sub3A_136 = arith.subf %sub3A_95, %reduce_sum3A_135 : f32
    %slice3A_137 = vector.extract_strided_slice %add3A_14 {offsets = [0, 96], sizes = [512, 32], strides = [1, 1]} : vector<512x128xf32> to vector<512x32xf32>
    %get3A_138 = arith.constant 3 : index
    %get3A_139 = arith.constant 0 : index
    %get3A_140 = arith.constant 0 : index
    %get3A_141 = vector.load %arg4[%get3A_138, %get3A_139, %get3A_140] : memref<4x512x32xf32, #tpu.memory_space<vmem>>, vector<1x512x32xf32>
    %get3A_142 = vector.shape_cast %get3A_141 : vector<1x512x32xf32> to vector<512x32xf32>
    %transpose3A_143 = tpu.transpose %get3A_142, [1, 0] : vector<512x32xf32> -> vector<32x512xf32>
    %dot_general3A_144 = arith.constant dense<0.000000e+00> : vector<512x512xf32>
    %dot_general3A_145 = tpu.matmul %slice3A_137, %transpose3A_143, %dot_general3A_144 {dimension_numbers = #tpu.dot_dimension_numbers<[1], [0], [0], [1], [0, 0, 1, 1], [], []>, transpose_lhs_hint = false} : vector<512x32xf32>, vector<32x512xf32>, vector<512x512xf32> -> vector<512x512xf32>
    %get3A_146 = arith.constant 3 : index
    %get3A_147 = arith.constant 0 : index
    %get3A_148 = vector.load %arg7[%get3A_146, %get3A_147] : memref<4x512xf32, #tpu.memory_space<vmem>>, vector<1x512xf32>
    %sub3A_149 = vector.broadcast %get3A_148 : vector<1x512xf32> to vector<512x512xf32>
    %sub3A_150 = arith.subf %dot_general3A_145, %sub3A_149 : vector<512x512xf32>
    %reduce_max3A_151 = arith.constant dense<0xFF800000> : vector<512xf32>
    %reduce_max3A_152 = vector.multi_reduction <maximumf>, %sub3A_150, %reduce_max3A_151 [1] : vector<512x512xf32> to vector<512xf32>
    %broadcast_in_dim3A_153 = vector.shape_cast %reduce_max3A_152 : vector<512xf32> to vector<512x1xf32>
    %eq3A_154 = vector.broadcast %broadcast_in_dim3A_153 : vector<512x1xf32> to vector<512x512xf32>
    %eq3A_155 = arith.cmpf oeq, %sub3A_150, %eq3A_154 : vector<512x512xf32>
    %jit3A_156 = arith.constant 512 : i32
    %broadcast_in_dim3A_157 = vector.broadcast %jit3A_156 : i32 to vector<512x512xi32>
    %select_n3A_158 = arith.select %eq3A_155, %iota3A, %broadcast_in_dim3A_157 : vector<512x512xi1>, vector<512x512xi32>
    %reduce_min3A_159 = arith.constant dense<2147483647> : vector<512xi32>
    %reduce_min3A_160 = vector.multi_reduction <minsi>, %select_n3A_158, %reduce_min3A_159 [1] : vector<512x512xi32> to vector<512xi32>
    %broadcast_in_dim3A_161 = vector.shape_cast %reduce_min3A_160 : vector<512xi32> to vector<512x1xi32>
    %add3A_162 = arith.constant 1536 : i32
    %add3A_163 = vector.broadcast %add3A_162 : i32 to vector<512x1xi32>
    %add3A_164 = arith.addi %broadcast_in_dim3A_161, %add3A_163 : vector<512x1xi32>
    %swap3A_165 = arith.constant 0 : index
    %swap3A_166 = arith.constant 3 : index
    %swap3A_167 = arith.constant 0 : index
    %swap3A_168 = arith.constant 0 : index
    %swap3A_169 = vector.load %arg5[%swap3A_165, %swap3A_166, %swap3A_167, %swap3A_168] : memref<1x4x512x1xi32, #tpu.memory_space<vmem>>, vector<1x1x512x1xi32>
    %swap3A_170 = vector.shape_cast %swap3A_169 : vector<1x1x512x1xi32> to vector<512x1xi32>
    %swap3A_171 = vector.shape_cast %add3A_164 : vector<512x1xi32> to vector<1x1x512x1xi32>
    tpu.vector_store %arg5[%swap3A_165, %swap3A_166, %swap3A_167, %swap3A_168], %swap3A_171 {strides = array<i32>} : memref<1x4x512x1xi32, #tpu.memory_space<vmem>>, vector<1x1x512x1xi32>,
    %reduce_sum3A_172 = vector.shape_cast %broadcast_in_dim3A_153 : vector<512x1xf32> to vector<1x512x1xf32>
    %reduce_sum3A_173 = arith.constant dense<0.000000e+00> : vector<1xf32>
    %reduce_sum3A_174 = vector.multi_reduction <add>, %reduce_sum3A_172, %reduce_sum3A_173 [1, 2] : vector<1x512x1xf32> to vector<1xf32>
    %reduce_sum3A_175 = vector.shape_cast %reduce_sum3A_174 : vector<1xf32> to vector<1x1x1xf32>
    %reduce_sum3A_176 = vector.extract %reduce_sum3A_175[0, 0, 0] : f32 from vector<1x1x1xf32>
    %sub3A_177 = arith.subf %sub3A_136, %reduce_sum3A_176 : f32
    %iota3A_178 = tpu.iota {dimensions = array<i32: 1>} : vector<1x128xi32>
    %iota3A_179 = vector.shape_cast %iota3A_178 : vector<1x128xi32> to vector<128xi32>
    %eq3A_180 = arith.constant 0 : i32
    %eq3A_181 = vector.broadcast %eq3A_180 : i32 to vector<128xi32>
    %eq3A_182 = arith.cmpi eq, %iota3A_179, %eq3A_181 : vector<128xi32>
    %jit3A_183 = arith.constant 0.000000e+00 : f32
    %broadcast_in_dim3A_184 = vector.broadcast %sub3A_177 : f32 to vector<128xf32>
    %broadcast_in_dim3A_185 = vector.broadcast %jit3A_183 : f32 to vector<128xf32>
    %select_n3A_186 = arith.select %eq3A_182, %broadcast_in_dim3A_184, %broadcast_in_dim3A_185 : vector<128xi1>, vector<128xf32>
    %swap3A_187 = arith.constant 0 : index
    %swap3A_188 = arith.constant 0 : index
    %swap3A_189 = arith.constant 0 : index
    %swap3A_190 = vector.load %arg6[%swap3A_187, %swap3A_188, %swap3A_189] : memref<1x1x128xf32, #tpu.memory_space<vmem>>, vector<1x1x128xf32>
    %swap3A_191 = vector.shape_cast %swap3A_190 : vector<1x1x128xf32> to vector<128xf32>
    %swap3A_192 = vector.shape_cast %select_n3A_186 : vector<128xf32> to vector<1x1x128xf32>
    tpu.vector_store %arg6[%swap3A_187, %swap3A_188, %swap3A_189], %swap3A_192 {strides = array<i32>} : memref<1x1x128xf32, #tpu.memory_space<vmem>>, vector<1x1x128xf32>,
    %lt3A = arith.constant 4 : i32
    %lt3A_193 = arith.cmpi slt, %arg0, %lt3A : i32
    %convert_element_type3A_194 = arith.extui %lt3A_193 : i1 to i32
    %cond3A_195 = arith.constant 0 : i32
    %cond3A_196 = arith.cmpi ne, %convert_element_type3A_194, %cond3A_195 : i32
    scf.if %cond3A_196 {
      %get3A_197 = arith.index_cast %arg0 : i32 to index
      %get3A_198 = arith.constant 0 : index
      %get3A_199 = arith.constant 0 : index
      %get3A_200 = vector.load %arg4[%get3A_197, %get3A_198, %get3A_199] : memref<4x512x32xf32, #tpu.memory_space<vmem>>, vector<1x512x32xf32>
      %get3A_201 = vector.shape_cast %get3A_200 : vector<1x512x32xf32> to vector<512x32xf32>
      %mul3A_202 = arith.mulf %get3A_201, %get3A_201 : vector<512x32xf32>
      %reduce_sum3A_203 = arith.constant dense<0.000000e+00> : vector<512xf32>
      %reduce_sum3A_204 = vector.multi_reduction <add>, %mul3A_202, %reduce_sum3A_203 [1] : vector<512x32xf32> to vector<512xf32>
      %broadcast_in_dim3A_205 = vector.shape_cast %reduce_sum3A_204 : vector<512xf32> to vector<512x1xf32>
      %sqrt3A = math.sqrt %broadcast_in_dim3A_205 : vector<512x1xf32>
      %div3A = vector.broadcast %sqrt3A : vector<512x1xf32> to vector<512x32xf32>
      %div3A_206 = arith.divf %get3A_201, %div3A : vector<512x32xf32>
      %transpose3A_207 = tpu.transpose %div3A_206, [1, 0] : vector<512x32xf32> -> vector<32x512xf32>
      %dot_general3A_208 = arith.constant dense<0.000000e+00> : vector<512x512xf32>
      %dot_general3A_209 = tpu.matmul %div3A_206, %transpose3A_207, %dot_general3A_208 {dimension_numbers = #tpu.dot_dimension_numbers<[1], [0], [0], [1], [0, 0, 1, 1], [], []>, transpose_lhs_hint = false} : vector<512x32xf32>, vector<32x512xf32>, vector<512x512xf32> -> vector<512x512xf32>
      %mul3A_210 = arith.mulf %dot_general3A_209, %dot_general3A_209 : vector<512x512xf32>
      %reduce_sum3A_211 = vector.shape_cast %mul3A_210 : vector<512x512xf32> to vector<1x512x512xf32>
      %reduce_sum3A_212 = arith.constant dense<0.000000e+00> : vector<1xf32>
      %reduce_sum3A_213 = vector.multi_reduction <add>, %reduce_sum3A_211, %reduce_sum3A_212 [1, 2] : vector<1x512x512xf32> to vector<1xf32>
      %reduce_sum3A_214 = vector.shape_cast %reduce_sum3A_213 : vector<1xf32> to vector<1x1x1xf32>
      %reduce_sum3A_215 = vector.extract %reduce_sum3A_214[0, 0, 0] : f32 from vector<1x1x1xf32>
      %eq3A_216 = arith.constant 0 : i32
      %eq3A_217 = vector.broadcast %eq3A_216 : i32 to vector<128xi32>
      %eq3A_218 = arith.cmpi eq, %iota3A_179, %eq3A_217 : vector<128xi32>
      %jit3A_219 = arith.constant 0.000000e+00 : f32
      %broadcast_in_dim3A_220 = vector.broadcast %sub3A_177 : f32 to vector<128xf32>
      %broadcast_in_dim3A_221 = vector.broadcast %jit3A_219 : f32 to vector<128xf32>
      %select_n3A_222 = arith.select %eq3A_218, %broadcast_in_dim3A_220, %broadcast_in_dim3A_221 : vector<128xi1>, vector<128xf32>
      %eq3A_223 = arith.constant 1 : i32
      %eq3A_224 = vector.broadcast %eq3A_223 : i32 to vector<128xi32>
      %eq3A_225 = arith.cmpi eq, %iota3A_179, %eq3A_224 : vector<128xi32>
      %jit3A_226 = arith.constant 0.000000e+00 : f32
      %broadcast_in_dim3A_227 = vector.broadcast %reduce_sum3A_215 : f32 to vector<128xf32>
      %broadcast_in_dim3A_228 = vector.broadcast %jit3A_226 : f32 to vector<128xf32>
      %select_n3A_229 = arith.select %eq3A_225, %broadcast_in_dim3A_227, %broadcast_in_dim3A_228 : vector<128xi1>, vector<128xf32>
      %add3A_230 = arith.addf %select_n3A_222, %select_n3A_229 : vector<128xf32>
      %swap3A_231 = arith.constant 0 : index
      %swap3A_232 = arith.constant 0 : index
      %swap3A_233 = arith.constant 0 : index
      %swap3A_234 = vector.load %arg6[%swap3A_231, %swap3A_232, %swap3A_233] : memref<1x1x128xf32, #tpu.memory_space<vmem>>, vector<1x1x128xf32>
      %swap3A_235 = vector.shape_cast %swap3A_234 : vector<1x1x128xf32> to vector<128xf32>
      %swap3A_236 = vector.shape_cast %add3A_230 : vector<128xf32> to vector<1x1x128xf32>
      tpu.vector_store %arg6[%swap3A_231, %swap3A_232, %swap3A_233], %swap3A_236 {strides = array<i32>} : memref<1x1x128xf32, #tpu.memory_space<vmem>>, vector<1x1x128xf32>,
    } else {
    }
    return
  }
  func.func @transform_0(%arg0: i32) -> (i32, i32, i32) {
    %c0_i32 = arith.constant 0 : i32
    %c0_i32_0 = arith.constant 0 : i32
    %c0_i32_1 = arith.constant 0 : i32
    return %arg0, %c0_i32, %c0_i32_0 : i32, i32, i32
  }
  func.func @transform_1(%arg0: i32) -> (i32, i32) {
    %c0_i32 = arith.constant 0 : i32
    %c0_i32_0 = arith.constant 0 : i32
    %c0_i32_1 = arith.constant 0 : i32
    return %c0_i32, %c0_i32_0 : i32, i32
  }
  func.func @transform_2(%arg0: i32) -> (i32, i32) {
    %c0_i32 = arith.constant 0 : i32
    %c0_i32_0 = arith.constant 0 : i32
    %c0_i32_1 = arith.constant 0 : i32
    return %c0_i32, %c0_i32_0 : i32, i32
  }
  func.func @transform_3(%arg0: i32) -> (i32, i32, i32) {
    %c0_i32 = arith.constant 0 : i32
    %c0_i32_0 = arith.constant 0 : i32
    %c0_i32_1 = arith.constant 0 : i32
    %c0_i32_2 = arith.constant 0 : i32
    return %c0_i32, %c0_i32_0, %c0_i32_1 : i32, i32, i32
  }
  func.func @transform_4(%arg0: i32) -> (i32, i32, i32, i32) {
    %c0_i32 = arith.constant 0 : i32
    %c0_i32_0 = arith.constant 0 : i32
    %c0_i32_1 = arith.constant 0 : i32
    %c0_i32_2 = arith.constant 0 : i32
    return %arg0, %c0_i32, %c0_i32_0, %c0_i32_1 : i32, i32, i32, i32
  }
  func.func @transform_5(%arg0: i32) -> (i32, i32, i32) {
    %c0_i32 = arith.constant 0 : i32
    %c0_i32_0 = arith.constant 0 : i32
    %c0_i32_1 = arith.constant 0 : i32
    return %arg0, %c0_i32, %c0_i32_0 : i32, i32, i32
  }
}

module attributes {stable_mosaic.version = 14 : i64} {
  func.func @_stage3_kernel(%arg0: i32, %arg1: memref<1x4x512x128xf32, #tpu.memory_space<vmem>>, %arg2: memref<1x1x32xf32, #tpu.memory_space<vmem>>, %arg3: memref<128x32xf32, #tpu.memory_space<vmem>>, %arg4: memref<1x32xf32, #tpu.memory_space<vmem>>, %arg5: memref<192x512xf32, #tpu.memory_space<vmem>>, %arg6: memref<192x1xf32, #tpu.memory_space<vmem>>, %arg7: memref<1x192x32xf32, #tpu.memory_space<vmem>>) attributes {dimension_semantics = [#tpu.dimension_semantics<arbitrary>], iteration_bounds = array<i64: 32>, scalar_prefetch = 0 : i64, scratch_operands = 0 : i64, tpu.core_type = #tpu.core_type<tc>, window_params = [{transform_indices = @transform_0, window_bounds = array<i64: 1, 4, 512, 128>}, {transform_indices = @transform_1, window_bounds = array<i64: 1, 1, 32>}, {pipeline_mode = #tpu.pipeline_mode<synchronous>, transform_indices = @transform_2, window_bounds = array<i64: 128, 32>}, {pipeline_mode = #tpu.pipeline_mode<synchronous>, transform_indices = @transform_3, window_bounds = array<i64: 1, 32>}, {pipeline_mode = #tpu.pipeline_mode<synchronous>, transform_indices = @transform_4, window_bounds = array<i64: 192, 512>}, {pipeline_mode = #tpu.pipeline_mode<synchronous>, transform_indices = @transform_5, window_bounds = array<i64: 192, 1>}, {transform_indices = @transform_6, window_bounds = array<i64: 1, 192, 32>}]} {
    %get3A = arith.constant 0 : index
    %get3A_0 = arith.constant 0 : index
    %get3A_1 = arith.constant 0 : index
    %get3A_2 = arith.constant 0 : index
    %get3A_3 = vector.load %arg1[%get3A, %get3A_0, %get3A_1, %get3A_2] : memref<1x4x512x128xf32, #tpu.memory_space<vmem>>, vector<1x4x512x128xf32>
    %get3A_4 = vector.shape_cast %get3A_3 : vector<1x4x512x128xf32> to vector<4x512x128xf32>
    %slice3A = vector.extract_strided_slice %get3A_4 {offsets = [0, 0, 0], sizes = [1, 512, 128], strides = [1, 1, 1]} : vector<4x512x128xf32> to vector<1x512x128xf32>
    %squeeze3A = vector.shape_cast %slice3A : vector<1x512x128xf32> to vector<512x128xf32>
    %slice3A_5 = vector.extract_strided_slice %squeeze3A {offsets = [0, 0], sizes = [512, 32], strides = [1, 1]} : vector<512x128xf32> to vector<512x32xf32>
    %slice3A_6 = vector.extract_strided_slice %get3A_4 {offsets = [1, 0, 0], sizes = [1, 512, 128], strides = [1, 1, 1]} : vector<4x512x128xf32> to vector<1x512x128xf32>
    %squeeze3A_7 = vector.shape_cast %slice3A_6 : vector<1x512x128xf32> to vector<512x128xf32>
    %slice3A_8 = vector.extract_strided_slice %squeeze3A_7 {offsets = [0, 0], sizes = [512, 32], strides = [1, 1]} : vector<512x128xf32> to vector<512x32xf32>
    %slice3A_9 = vector.extract_strided_slice %get3A_4 {offsets = [2, 0, 0], sizes = [1, 512, 128], strides = [1, 1, 1]} : vector<4x512x128xf32> to vector<1x512x128xf32>
    %squeeze3A_10 = vector.shape_cast %slice3A_9 : vector<1x512x128xf32> to vector<512x128xf32>
    %slice3A_11 = vector.extract_strided_slice %squeeze3A_10 {offsets = [0, 0], sizes = [512, 32], strides = [1, 1]} : vector<512x128xf32> to vector<512x32xf32>
    %slice3A_12 = vector.extract_strided_slice %get3A_4 {offsets = [3, 0, 0], sizes = [1, 512, 128], strides = [1, 1, 1]} : vector<4x512x128xf32> to vector<1x512x128xf32>
    %squeeze3A_13 = vector.shape_cast %slice3A_12 : vector<1x512x128xf32> to vector<512x128xf32>
    %slice3A_14 = vector.extract_strided_slice %squeeze3A_13 {offsets = [0, 0], sizes = [512, 32], strides = [1, 1]} : vector<512x128xf32> to vector<512x32xf32>
    %concatenate3A = tpu.concatenate %slice3A_5, %slice3A_8, %slice3A_11, %slice3A_14 in 1 : vector<512x32xf32>, vector<512x32xf32>, vector<512x32xf32>, vector<512x32xf32> -> vector<512x128xf32>
    %get3A_15 = arith.constant 0 : index
    %get3A_16 = arith.constant 0 : index
    %get3A_17 = vector.load %arg3[%get3A_15, %get3A_16] : memref<128x32xf32, #tpu.memory_space<vmem>>, vector<128x32xf32>
    %dot_general3A = arith.constant dense<0.000000e+00> : vector<512x32xf32>
    %dot_general3A_18 = tpu.matmul %concatenate3A, %get3A_17, %dot_general3A {dimension_numbers = #tpu.dot_dimension_numbers<[1], [0], [0], [1], [0, 0, 1, 1], [], []>, transpose_lhs_hint = false} : vector<512x128xf32>, vector<128x32xf32>, vector<512x32xf32> -> vector<512x32xf32>
    %get3A_19 = arith.constant 0 : index
    %get3A_20 = arith.constant 0 : index
    %get3A_21 = vector.load %arg4[%get3A_19, %get3A_20] : memref<1x32xf32, #tpu.memory_space<vmem>>, vector<1x32xf32>
    %add3A = vector.broadcast %get3A_21 : vector<1x32xf32> to vector<512x32xf32>
    %add3A_22 = arith.addf %dot_general3A_18, %add3A : vector<512x32xf32>
    %get3A_23 = arith.constant 0 : index
    %get3A_24 = arith.constant 0 : index
    %get3A_25 = vector.load %arg5[%get3A_23, %get3A_24] : memref<192x512xf32, #tpu.memory_space<vmem>>, vector<192x512xf32>
    %dot_general3A_26 = arith.constant dense<0.000000e+00> : vector<192x32xf32>
    %dot_general3A_27 = tpu.matmul %get3A_25, %add3A_22, %dot_general3A_26 {dimension_numbers = #tpu.dot_dimension_numbers<[1], [0], [0], [1], [0, 0, 1, 1], [], []>, transpose_lhs_hint = false} : vector<192x512xf32>, vector<512x32xf32>, vector<192x32xf32> -> vector<192x32xf32>
    %get3A_28 = arith.constant 0 : index
    %get3A_29 = arith.constant 0 : index
    %get3A_30 = vector.load %arg6[%get3A_28, %get3A_29] : memref<192x1xf32, #tpu.memory_space<vmem>>, vector<192x1xf32>
    %add3A_31 = vector.broadcast %get3A_30 : vector<192x1xf32> to vector<192x32xf32>
    %add3A_32 = arith.addf %dot_general3A_27, %add3A_31 : vector<192x32xf32>
    %get3A_33 = arith.constant 0 : index
    %get3A_34 = arith.constant 0 : index
    %get3A_35 = arith.constant 0 : index
    %get3A_36 = vector.load %arg2[%get3A_33, %get3A_34, %get3A_35] : memref<1x1x32xf32, #tpu.memory_space<vmem>>, vector<1x1x32xf32>
    %get3A_37 = vector.shape_cast %get3A_36 : vector<1x1x32xf32> to vector<1x32xf32>
    %add3A_38 = vector.broadcast %get3A_37 : vector<1x32xf32> to vector<192x32xf32>
    %add3A_39 = arith.addf %add3A_32, %add3A_38 : vector<192x32xf32>
    %swap3A = arith.constant 0 : index
    %swap3A_40 = arith.constant 0 : index
    %swap3A_41 = arith.constant 0 : index
    %swap3A_42 = vector.load %arg7[%swap3A, %swap3A_40, %swap3A_41] : memref<1x192x32xf32, #tpu.memory_space<vmem>>, vector<1x192x32xf32>
    %swap3A_43 = vector.shape_cast %swap3A_42 : vector<1x192x32xf32> to vector<192x32xf32>
    %swap3A_44 = vector.shape_cast %add3A_39 : vector<192x32xf32> to vector<1x192x32xf32>
    tpu.vector_store %arg7[%swap3A, %swap3A_40, %swap3A_41], %swap3A_44 {strides = array<i32>} : memref<1x192x32xf32, #tpu.memory_space<vmem>>, vector<1x192x32xf32>,
    return
  }
  func.func @transform_0(%arg0: i32) -> (i32, i32, i32, i32) {
    %c0_i32 = arith.constant 0 : i32
    %c0_i32_0 = arith.constant 0 : i32
    %c0_i32_1 = arith.constant 0 : i32
    %c0_i32_2 = arith.constant 0 : i32
    return %arg0, %c0_i32, %c0_i32_0, %c0_i32_1 : i32, i32, i32, i32
  }
  func.func @transform_1(%arg0: i32) -> (i32, i32, i32) {
    %c0_i32 = arith.constant 0 : i32
    %c0_i32_0 = arith.constant 0 : i32
    %c0_i32_1 = arith.constant 0 : i32
    return %arg0, %c0_i32, %c0_i32_0 : i32, i32, i32
  }
  func.func @transform_2(%arg0: i32) -> (i32, i32) {
    %c0_i32 = arith.constant 0 : i32
    %c0_i32_0 = arith.constant 0 : i32
    %c0_i32_1 = arith.constant 0 : i32
    return %c0_i32, %c0_i32_0 : i32, i32
  }
  func.func @transform_3(%arg0: i32) -> (i32, i32) {
    %c0_i32 = arith.constant 0 : i32
    %c0_i32_0 = arith.constant 0 : i32
    %c0_i32_1 = arith.constant 0 : i32
    return %c0_i32, %c0_i32_0 : i32, i32
  }
  func.func @transform_4(%arg0: i32) -> (i32, i32) {
    %c0_i32 = arith.constant 0 : i32
    %c0_i32_0 = arith.constant 0 : i32
    %c0_i32_1 = arith.constant 0 : i32
    return %c0_i32, %c0_i32_0 : i32, i32
  }
  func.func @transform_5(%arg0: i32) -> (i32, i32) {
    %c0_i32 = arith.constant 0 : i32
    %c0_i32_0 = arith.constant 0 : i32
    %c0_i32_1 = arith.constant 0 : i32
    return %c0_i32, %c0_i32_0 : i32, i32
  }
  func.func @transform_6(%arg0: i32) -> (i32, i32, i32) {
    %c0_i32 = arith.constant 0 : i32
    %c0_i32_0 = arith.constant 0 : i32
    %c0_i32_1 = arith.constant 0 : i32
    return %arg0, %c0_i32, %c0_i32_0 : i32, i32, i32
  }
}

</mosaic_0001>

<sc_bundles>
// kernel: kernel.5.cloned.1.call-start
scs
__scs_entry_jumppad:
0x0: {  	(pc) =	sbr.rel $0x88, $3  }
0x1: {  	(tag) =	ssettag $0x0;
	lr =	simm.s32 $0x1  }
0x2: {  	[smem:$0x3F99] =	sst lr;
	_ =	strace $0xD0000000  }
0x3: {  	_ = 	snop  }
0x4: {  	_ = 	snop  }
0x5: {  	_ = 	snop  }
0x6: {  	_ = 	snop  }
0x7: {  	_ = 	snop  }
__scs_overlays_trampoline_lowered:
0x8: {  	[smem:$0x3FA8] =	sst s0  }
0x9: {  	[smem:$0x3FA9] =	sst s1  }
0xa: {  	[smem:$0x3FAA] =	sst s2  }
0xb: {  	[smem:$0x3FAB] =	sst s3  }
0xc: {  	[smem:$0x3FAC] =	sst s4  }
0xd: {  	[smem:$0x3FAD] =	sst s5  }
0xe: {  	[smem:$0x3FAE] =	sst s6  }
0xf: {  	[smem:$0x3FAF] =	sst s7  }
0x10: {  	[smem:$0x3FB0] =	sst s8  }
0x11: {  	[smem:$0x3FB1] =	sst s9;
	s0 =	simm.s32 @!p0 $0x0  }
0x12: {  	s1 =	sld [smem:$0x3F97];
	s0 =	simm.s32 @p0 $0x1  }
0x13: {  	[smem:$0x3FB2] =	sst s0;
	s0 =	simm.s32 @!p1 $0x0  }
0x14: {  	s2 =	sld [smem:$0x3F96];
	s0 =	simm.s32 @p1 $0x1  }
0x15: {  	[smem:$0x3FB3] =	sst s0;
	s0 =	simm.s32 @!p2 $0x0  }
0x16: {  	s3 =	sld [smem:$0x3FDB];
	s0 =	simm.s32 @p2 $0x1  }
0x17: {  	s4 =	simm.s32 $0x1BF5;
	[smem:$0x3FB5] =	sst s0  }
0x18: {  	s0 =	sld [smem:$0x3F98];
	_ =	swait.ge [sflag:s4], $0x0  }
0x19: {  	s7 =	sld [smem:$0x3F99]  }
0x1a: {  	s8 =	sadd.s32 $0xFFFFE003, lr  }
0x1b: {  	s9 =	sadd.s32 $0xFFFFFEF7, lr;
	s5 =	simm.s32 $0xFFFFFFFF;
	p2 =	slt.u32 s8, $0xFFFFF086  }
0x1c: {  	p1 =	slt.u32 s9, $0xF7A;
	s5 =	simm.s32 @!p2 $0x0  }
0x1d: {  	s5 =	simm.s32 @p1 $0x1;
	p0 =	seq.s32 s7, s2  }
0x1e: {  	s7 =	smul.u32 @!p0 $0xF7A, s2;
	p2 =	seq.s32 @!p0 s5, $0x0  }
0x1f: {  	s9 =	smul.u32 $0xF7A, s1;
	s8 =	simm.s32 @!p0 $0x1BF5;
	p2 =	por !p2, p0  }
0x20: {  	[sflag:s8] =	ssyncset.s32 @!p0 $0xFFFFF086;
	s6 =	sadd.s32 @!p0 s3, s7;
	s7 =	simm.s32 @!p0 $0x108  }
0x21: {  	s3 =	sadd.s32 s3, s9;
	s6 =	sadd.s32 @!p0 $0x88, s6;
	s7 =	simm.s32 @p2 $0x1082  }
0x22: {  	[simem:s7], [sflag:s8] =	dma.local @!p0 [hbm:s6], $0xF7A  }
0x23: {  	s9 =	sor.u32 $0xD0000000, s2;
	s6 =	simm.s32 $0x108;
	_ =	swait.ge @!p0 [sflag:s8], $0x0  }
0x24: {  	s3 =	sadd.s32 $0x88, s3;
	s6 =	simm.s32 @!p1 $0x1082;
	[sflag:s4] =	ssyncset.s32 $0xFFFFF086  }
0x25: {  	[simem:s6], [sflag:s4] =	dma.local [hbm:s3], $0xF7A  }
0x26: {  	[smem:$0x3F99] =	sst s1;
	(tag) =	ssettag s2;
	_ =	strace s9  }
0x27: {  	s1 =	sld [smem:$0x3FA9]  }
0x28: {  	s2 =	sld [smem:$0x3FAA]  }
0x29: {  	s4 =	sld [smem:$0x3FAC]  }
0x2a: {  	p0 =	seq.s32 s5, $0x0;
	s5 =	sld [smem:$0x3FAD]  }
0x2b: {  	s6 =	sld [smem:$0x3FAE]  }
0x2c: {  	s7 =	sld [smem:$0x3FAF]  }
0x2d: {  	s3 =	simm.s32 $0x108;
	s8 =	sld [smem:$0x3FB0]  }
0x2e: {  	s3 =	simm.s32 @!p0 $0x1082;
	s9 =	sld [smem:$0x3FB1]  }
0x2f: {  	lr =	sadd.s32 s0, s3;
	s0 =	sld [smem:$0x3FA8]  }
0x30: {  	s3 =	sld [smem:$0x3FAB]  }
0x31: {  	[smem:$0x3FB4] =	sst s10  }
0x32: {  	s10 =	sld [smem:$0x3FB2];
	_ =	sdelay $0x3  }
0x33: {  	p0 =	seq.s32 s10, $0x1;
	s10 =	sld [smem:$0x3FB4];
	_ =	sdelay $0x3  }
0x34: {  	[smem:$0x3FB4] =	sst s10  }
0x35: {  	s10 =	sld [smem:$0x3FB3];
	_ =	sdelay $0x3  }
0x36: {  	p1 =	seq.s32 s10, $0x1;
	s10 =	sld [smem:$0x3FB4];
	_ =	sdelay $0x3  }
0x37: {  	[smem:$0x3FB4] =	sst s10  }
0x38: {  	s10 =	sld [smem:$0x3FB5]  }
0x39: {  	_ = 	snop;
	(pc) =	sbr.ind lr, $3  }
0x3a: {  	_ = 	snop  }
0x3b: {  	_ = 	snop  }
0x3c: {  	p2 =	seq.s32 s10, $0x1;
	s10 =	sld [smem:$0x3FB4]  }
0x3d: {  	_ =	shalt  }
0x3e: {  	_ =	shalt  }
0x3f: {  	_ =	shalt  }
0x40: {  	_ =	shalt  }
0x41: {  	_ =	shalt  }
0x42: {  	_ =	shalt  }
0x43: {  	_ =	shalt  }
0x44: {  	_ =	shalt  }
0x45: {  	_ =	shalt  }
0x46: {  	_ =	shalt  }
0x47: {  	_ =	shalt  }
0x48: {  	_ =	shalt  }
0x49: {  	_ =	shalt  }
0x4a: {  	_ =	shalt  }
0x4b: {  	_ =	shalt  }
0x4c: {  	_ =	shalt  }
0x4d: {  	_ =	shalt  }
0x4e: {  	_ =	shalt  }
0x4f: {  	_ =	shalt  }
0x50: {  	_ =	shalt  }
0x51: {  	_ =	shalt  }
0x52: {  	_ =	shalt  }
0x53: {  	_ =	shalt  }
0x54: {  	_ =	shalt  }
0x55: {  	_ =	shalt  }
0x56: {  	_ =	shalt  }
0x57: {  	_ =	shalt  }
0x58: {  	_ =	shalt  }
0x59: {  	_ =	shalt  }
0x5a: {  	_ =	shalt  }
0x5b: {  	_ =	shalt  }
0x5c: {  	_ =	shalt  }
0x5d: {  	_ =	shalt  }
0x5e: {  	_ =	shalt  }
0x5f: {  	_ =	shalt  }
0x60: {  	_ =	shalt  }
0x61: {  	_ =	shalt  }
0x62: {  	_ =	shalt  }
0x63: {  	_ =	shalt  }
0x64: {  	_ =	shalt  }
0x65: {  	_ =	shalt  }
0x66: {  	_ =	shalt  }
0x67: {  	_ =	shalt  }
0x68: {  	_ =	shalt  }
0x69: {  	_ =	shalt  }
0x6a: {  	_ =	shalt  }
0x6b: {  	_ =	shalt  }
0x6c: {  	_ =	shalt  }
0x6d: {  	_ =	shalt  }
0x6e: {  	_ =	shalt  }
0x6f: {  	_ =	shalt  }
0x70: {  	_ =	shalt  }
0x71: {  	_ =	shalt  }
0x72: {  	_ =	shalt  }
0x73: {  	_ =	shalt  }
0x74: {  	_ =	shalt  }
0x75: {  	_ =	shalt  }
0x76: {  	_ =	shalt  }
0x77: {  	_ =	shalt  }
0x78: {  	_ =	shalt  }
0x79: {  	_ =	shalt  }
0x7a: {  	_ =	shalt  }
0x7b: {  	_ =	shalt  }
0x7c: {  	_ =	shalt  }
0x7d: {  	_ =	shalt  }
0x7e: {  	_ =	shalt  }
0x7f: {  	_ =	shalt  }
0x80: {  	_ =	shalt  }
0x81: {  	_ =	shalt  }
0x82: {  	_ =	shalt  }
0x83: {  	_ =	shalt  }
0x84: {  	_ =	shalt  }
0x85: {  	_ =	shalt  }
0x86: {  	_ =	shalt  }
0x87: {  	_ =	shalt  }
.Lfunc_end0:
.L_simem_size_0:
called_computation_lowered:
.L_overlay_start_0:
0x88: {  	s2 =	sld [smem:$0x3FD9]  }
0x89: {  	s3 =	sld [smem:$0x3FFE];
	_ =	sdelay $0x1  }
0x8a: {  	s1 =	srdreg.scid  }
0x8b: {  	s0 =	sand.u32 $0x1, s1  }
0x8c: {  	s14 =	sshll.u32 s0, $0xA;
	s2 =	sadd.s32 s3, s2  }
0x8d: {  	s2 =	sadd.s32 s2, s14  }
0x8e: {  	[smem:$0x3FC0] =	sst s2  }
0x8f: {  	_ = 	snop  }
0x90: {  	s2 =	sld [smem:$0x3FD0];
	_ =	sdelay $0x2  }
0x91: {  	s15 =	simm.s32 $0xA;
	s4 =	simm.s32 $0x10  }
0x92: {  	[smem:s4], [sflag:s15] =	dma.local [hbm:s2], $0x1  }
0x93: {  	_ =	swait.eq [sflag:s15], $0x1  }
0x94: {  	[sflag:s15] =	ssyncset.done $0x0  }
0x95: {  	[sflag:s15] =	ssyncadd.s32 $0xFFFFFFFF  }
0x96: {  	s16 =	sld [smem:$0x10];
	(tm) =	ssettm $0x1  }
0x97: {  	s17 =	sld [smem:$0x3FFB];
	_ =	sdelay $0x3  }
0x98: {  	_ =	strace s17  }
0x99: {  	s3 =	sld [smem:$0x3FFC];
	_ =	sdelay $0x3  }
0x9a: {  	_ =	strace s3  }
0x9b: {  	s3 =	sld [smem:$0x3FFD];
	_ =	sdelay $0x3  }
0x9c: {  	_ =	strace s3  }
0x9d: {  	_ =	strace $0x8FFFFFFF  }
0x9e: {  	s18 =	sld [smem:$0x3FDB];
	_ =	sdelay $0x1  }
0x9f: {  	s19 =	simm.s32 $_scs_section_size  }
0xa0: {  	s5 =	simm.s32 $_size__tile_overlayer_lowered;
	s6 =	simm.s32 $_tile_overlayer_lowered  }
0xa1: {  	s22 =	simm.s32 $0x1BFF;
	s21 =	sshll.u32 s6, $0x1;
	s3 =	sadd.s32 s19, s18  }
0xa2: {  	s7 =	simm.s32 $0x0;
	s20 =	sshll.u32 s5, $0x1;
	s5 =	sadd.s32 s21, s3  }
0xa3: {  	[timem:s7], [sflag:s22] =	dma.local [hbm:s5], s20  }
0xa4: {  	_ =	swait.ge [sflag:s22], s20  }
0xa5: {  	s4 =	ssub.s32 $0x0, s20;
	[sflag:s22] =	ssyncset.done $0x0  }
0xa6: {  	[sflag:s22] =	ssyncadd.s32 s4;
	_ =	sdelay $0x1  }
0xa7: {  	s23 =	simm.s32 $0x1B8B  }
0xa8: {  	_ =	swait.ge [sflag:s23], $0x1  }
0xa9: {  	[sflag:s23] =	ssyncset.done $0x0  }
0xaa: {  	s25 =	simm.s32 $0x1B8E;
	s24 =	sld [smem:$0x3FFE];
	[sflag:s23] =	ssyncadd.s32 $0xFFFFFFFF  }
0xab: {  	s26 =	simm.s32 $execute0_lowered;
	[smem:$0x3FD2] =	sst s25  }
0xac: {  	s5 =	sshll.u32 s26, $0x1;
	_ =	strace $0x80000046;
	[dreg:$0x1] =	wrdreg $0xFFFFFFFF  }
0xad: {  	s28 =	simm.s32 $_size_execute0_lowered;
	s3 =	sadd.s32 s3, s5;
	[dreg:$0x0] =	wrdreg $0x0  }
0xae: {  	s5 =	sshll.u32 s28, $0x1;
	[dreg:$0x2] =	wrdreg s3  }
0xaf: {  	[dreg:$0x3] =	wrdreg s5  }
0xb0: {  	[dreg:$0x4] =	wrdreg $0xC0  }
0xb1: {  	_ =	task [dreg:s7], $0x5FFFF  }
0xb2: {  	[dreg:$0x1] =	wrdreg $0xFFFFFFFF  }
0xb3: {  	[dreg:$0x0] =	wrdreg $0x60  }
0xb4: {  	[dreg:$0x2] =	wrdreg s16  }
0xb5: {  	[dreg:$0x3] =	wrdreg s24  }
0xb6: {  	[dreg:$0x4] =	wrdreg $0x9  }
0xb7: {  	_ =	task.clear_ibuf [dreg:s7], $0x5FFFF;
	_ =	strace $0x90000046  }
0xb8: {  	s29 =	simm.s32 $0x9;
	_ =	strace $0x80000048  }
0xb9: {  	_ =	swait.ge [sflag:s29], $0x1  }
0xba: {  	[sflag:s29] =	ssyncadd.s32 $0xFFFFFFFF  }
0xbb: {  	_ =	strace $0x90000048  }
0xbc: {  	_ =	sfence  }
0xbd: {  	s30 =	sld [smem:$0x0];
	_ =	sdelay $0x2  }
0xbe: {  	s31 =	sshll.u32 s1, $0xD;
	s1 =	sshrl.u32 s1, $0x2  }
0xbf: {  	s3 =	sand.u32 $0x4000, s31;
	s1 =	sadd.s32 s1, s30  }
0xc0: {  	s0 =	sor.u32 s3, s0;
	s1 =	sshll.u32 s1, $0x11  }
0xc1: {  	s0 =	sor.u32 s1, s0  }
0xc2: {  	s0 =	sadd.s32 $0x8F2B, s0  }
0xc3: {  	[sflag:s0] =	ssyncadd.remote.s32 $0x1  }
0xc4: {  	_ =	sfence.sel $0xFFFF  }
0xc5: {  	[dreg:$0x0] =	wrdreg $0xFFFFFFFF;
	(pc) =	sbr.abs _section_cstart, $3  }
0xc6: {  	[dreg:$0x1] =	wrdreg $0xFFFFFFFF  }
0xc7: {  	_ =	task.clear_ibuf [dreg:s7], $0x2FFFF;
	_ =	strace $0x9FFFFFFF  }
0xc8: {  	(tm) =	ssettm $0x7FFFFFFF  }
0xc9: {  	_ =	shalt  }
tec
execute0_lowered:
.L_overlay_start_1:
0x0: {  	(tag) =	ssettag $0x1  }
0x1: {  	s1 =	srdreg.scid  }
0x2: {  	s0 =	stileid.u32;
	s13 =	sand.u32 $0x1, s1  }
0x3: {  	s2 =	rddreg [dreg:$0x0];
	s31 =	sshll.u32 s0, $0xC;
	s3 =	sshll.u32 s13, $0xB  }
0x4: {  	s9 =	rddreg [dreg:$0x1];
	s10 =	sor.u32 s3, s31  }
0x5: {  	s1 =	rddreg [dreg:$0x2];
	s3 =	simm.s32 $0x0;
	s4 =	sshrl.u32 s10, $0x3  }
0x6: {  	[smem:$0x7FF] =	sst s3;
	s4 =	sadd.s32 s4, s9  }
0x7: {  	_ =	strace $0x80000047;
	s5 =	sadd.s32 $0x400, s4;
	s4 =	simm.s32 $0x2  }
0x8: {  	[tilespmem:s3], [sflag:$0x2] =	stream.linear.gather [hbm4b:s5+s3], $0x800, $0x38;
	[tilespmem:$0x10800] =	vst v63  }
0x9: {  	_ =	swait.ge [sflag:s4], $0x800  }
0xa: {  	s6 =	simm.s32 $0x200;
	[sflag:s4] =	ssyncset.done $0x0  }
0xb: {  	s7 =	simm.s32 $0x800;
	s8 =	simm.s32 $0x1;
	[sflag:s4] =	ssyncadd.s32 $0xFFFFF800  }
0xc: {  	[tilespmem:s7], [sflag:$0x1] =	stream.indirect.gather [hbm4b:s2+s6], $0x80, s3, s6, $0xb8;
	[tilespmem:$0x10800] =	vst v63  }
0xd: {  	s10 =	sshll.u32 s10, $0x4;
	_ =	swait.ge [sflag:s8], $0x10000  }
0xe: {  	s14 =	sadd.s32 s10, s9;
	[sflag:s8] =	ssyncset.done $0x0  }
0xf: {  	s9 =	sadd.s32 $0x2400, s14;
	[sflag:s8] =	ssyncadd.s32 $0xFFFF0000  }
0x10: {  	[hbm4b:s9+s3] =	stream.linear.scatter [tilespmem:s7], [sflag:$0x2], $0x10000, $0x38;
	[tilespmem:$0x10800] =	vst v63  }
0x11: {  	_ =	swait.ge [sflag:s4], $0x10000  }
0x12: {  	[sflag:s4] =	ssyncset.done $0x0  }
0x13: {  	[sflag:s4] =	ssyncadd.s32 $0xFFFF0000  }
0x14: {  	[tilespmem:s7], [sflag:$0x1] =	stream.indirect.gather [hbm4b:s2+s6], $0x80, s6, s6, $0xb8;
	[tilespmem:$0x10800] =	vst v63  }
0x15: {  	_ =	swait.ge [sflag:s8], $0x10000  }
0x16: {  	[sflag:s8] =	ssyncset.done $0x0  }
0x17: {  	s10 =	sadd.s32 $0x4400, s14;
	[sflag:s8] =	ssyncadd.s32 $0xFFFF0000  }
0x18: {  	[hbm4b:s10+s3] =	stream.linear.scatter [tilespmem:s7], [sflag:$0x2], $0x10000, $0x38;
	[tilespmem:$0x10800] =	vst v63  }
0x19: {  	_ =	swait.ge [sflag:s4], $0x10000  }
0x1a: {  	[sflag:s4] =	ssyncset.done $0x0  }
0x1b: {  	s11 =	simm.s32 $0x400;
	[sflag:s4] =	ssyncadd.s32 $0xFFFF0000  }
0x1c: {  	[tilespmem:s7], [sflag:$0x1] =	stream.indirect.gather [hbm4b:s2+s6], $0x80, s11, s6, $0xb8;
	[tilespmem:$0x10800] =	vst v63  }
0x1d: {  	_ =	swait.ge [sflag:s8], $0x10000  }
0x1e: {  	[sflag:s8] =	ssyncset.done $0x0  }
0x1f: {  	s15 =	ssub.s32 $0x2, s13;
	s12 =	sadd.s32 $0x6400, s14;
	[sflag:s8] =	ssyncadd.s32 $0xFFFF0000  }
0x20: {  	[hbm4b:s12+s3] =	stream.linear.scatter [tilespmem:s7], [sflag:$0x2], $0x10000, $0x38;
	[tilespmem:$0x10800] =	vst v63  }
0x21: {  	s16 =	sshrl.u32 s15, $0x1;
	_ =	swait.ge [sflag:s4], $0x10000  }
0x22: {  	s15 =	ssub.s32 s15, s16;
	[sflag:s4] =	ssyncset.done $0x0  }
0x23: {  	s13 =	simm.s32 $0x600;
	s15 =	smax.u32 s15, $0x1;
	[sflag:s4] =	ssyncadd.s32 $0xFFFF0000  }
0x24: {  	[tilespmem:s7], [sflag:$0x1] =	stream.indirect.gather [hbm4b:s2+s6], $0x80, s13, s6, $0xb8;
	[tilespmem:$0x10800] =	vst v63  }
0x25: {  	p0 =	sne.s32 s15, $0x1;
	_ =	swait.ge [sflag:s8], $0x10000  }
.Ltmp0:
0x26: {  	[sflag:s8] =	ssyncset.done $0x0;
	(pc) =	sbr.rel @!p0 .LBB2_2-.Ltmp0, $4  }
0x27: {  	s14 =	sadd.s32 $0x8400, s14;
	[sflag:s8] =	ssyncadd.s32 $0xFFFF0000  }
0x28: {  	[hbm4b:s14+s3] =	stream.linear.scatter [tilespmem:s7], [sflag:$0x2], $0x10000, $0x38;
	[tilespmem:$0x10800] =	vst v63  }
0x29: {  	_ =	swait.ge [sflag:s4], $0x10000  }
0x2a: {  	s15 =	sadd.s32 $0xFFFFFFFF, s15;
	[sflag:s4] =	ssyncset.done $0x0  }
.LBB2_1:
0x2b: {  	p0 =	sne.s32 s15, $0x1;
	s15 =	sadd.s32 $0xFFFFFFFF, s15;
	[sflag:s4] =	ssyncadd.s32 $0xFFFF0000  }
0x2c: {  	[tilespmem:s3], [sflag:$0x2] =	stream.linear.gather [hbm4b:s5+s3], $0x800, $0x38;
	[tilespmem:$0x10800] =	vst v63  }
0x2d: {  	_ =	swait.ge [sflag:s4], $0x800  }
0x2e: {  	[sflag:s4] =	ssyncset.done $0x0  }
0x2f: {  	[sflag:s4] =	ssyncadd.s32 $0xFFFFF800  }
0x30: {  	[tilespmem:s7], [sflag:$0x1] =	stream.indirect.gather [hbm4b:s2+s6], $0x80, s3, s6, $0xb8;
	[tilespmem:$0x10800] =	vst v63  }
0x31: {  	_ =	swait.ge [sflag:s8], $0x10000  }
0x32: {  	[sflag:s8] =	ssyncset.done $0x0  }
0x33: {  	[sflag:s8] =	ssyncadd.s32 $0xFFFF0000  }
0x34: {  	[hbm4b:s9+s3] =	stream.linear.scatter [tilespmem:s7], [sflag:$0x2], $0x10000, $0x38;
	[tilespmem:$0x10800] =	vst v63  }
0x35: {  	_ =	swait.ge [sflag:s4], $0x10000  }
0x36: {  	[sflag:s4] =	ssyncset.done $0x0  }
0x37: {  	[sflag:s4] =	ssyncadd.s32 $0xFFFF0000  }
0x38: {  	[tilespmem:s7], [sflag:$0x1] =	stream.indirect.gather [hbm4b:s2+s6], $0x80, s6, s6, $0xb8;
	[tilespmem:$0x10800] =	vst v63  }
0x39: {  	_ =	swait.ge [sflag:s8], $0x10000  }
0x3a: {  	[sflag:s8] =	ssyncset.done $0x0  }
0x3b: {  	[sflag:s8] =	ssyncadd.s32 $0xFFFF0000  }
0x3c: {  	[hbm4b:s10+s3] =	stream.linear.scatter [tilespmem:s7], [sflag:$0x2], $0x10000, $0x38;
	[tilespmem:$0x10800] =	vst v63  }
0x3d: {  	_ =	swait.ge [sflag:s4], $0x10000  }
0x3e: {  	[sflag:s4] =	ssyncset.done $0x0  }
0x3f: {  	[sflag:s4] =	ssyncadd.s32 $0xFFFF0000  }
0x40: {  	[tilespmem:s7], [sflag:$0x1] =	stream.indirect.gather [hbm4b:s2+s6], $0x80, s11, s6, $0xb8;
	[tilespmem:$0x10800] =	vst v63  }
0x41: {  	_ =	swait.ge [sflag:s8], $0x10000  }
0x42: {  	[sflag:s8] =	ssyncset.done $0x0  }
0x43: {  	[sflag:s8] =	ssyncadd.s32 $0xFFFF0000  }
0x44: {  	[hbm4b:s12+s3] =	stream.linear.scatter [tilespmem:s7], [sflag:$0x2], $0x10000, $0x38;
	[tilespmem:$0x10800] =	vst v63  }
0x45: {  	_ =	swait.ge [sflag:s4], $0x10000  }
0x46: {  	[sflag:s4] =	ssyncset.done $0x0  }
0x47: {  	[sflag:s4] =	ssyncadd.s32 $0xFFFF0000  }
0x48: {  	[tilespmem:s7], [sflag:$0x1] =	stream.indirect.gather [hbm4b:s2+s6], $0x80, s13, s6, $0xb8;
	[tilespmem:$0x10800] =	vst v63  }
0x49: {  	_ =	swait.ge [sflag:s8], $0x10000  }
.Ltmp1:
0x4a: {  	[sflag:s8] =	ssyncset.done $0x0;
	(pc) =	sbr.rel @p0 .LBB2_1-.Ltmp1, $4  }
0x4b: {  	[sflag:s8] =	ssyncadd.s32 $0xFFFF0000  }
0x4c: {  	[hbm4b:s14+s3] =	stream.linear.scatter [tilespmem:s7], [sflag:$0x2], $0x10000, $0x38;
	[tilespmem:$0x10800] =	vst v63  }
0x4d: {  	_ =	swait.ge [sflag:s4], $0x10000  }
0x4e: {  	[sflag:s4] =	ssyncset.done $0x0  }
.LBB2_2:
0x4f: {  	[sflag:s4] =	ssyncadd.s32 $0xFFFF0000  }
0x50: {  	_ =	sfence.sel $0x180000  }
0x51: {  	[bflag:$0x0] =	sbarrier.arrive $0xFFFF  }
0x52: {  	p0 =	sne.s32 s0, $0x0;
	_ =	strace $0x90000047  }
0x53: {  	s0 =	sadd.s32 @!p0 $0x100000, s1;
	[bflag:$0x2] =	sbarrier.arrive $0xFFFF  }
0x54: {  	[sflag:s0] =	ssyncadd.tile.s32 @!p0 $0x1;
	_ =	shalt  }
.Lfunc_end2:
_tile_overlayer_lowered:
.L_overlay_start_2:
0x55: {  	(tag) =	ssettag $0x2  }
0x56: {  	s0 =	rddreg [dreg:$0x0];
	s2 =	stileid.u32  }
0x57: {  	s1 =	rddreg [dreg:$0x1];
	p0 =	sne.s32 s2, $0x0  }
0x58: {  	s3 =	rddreg [dreg:$0x2];
	[bflag:$0x3] =	sbarrier.arrive $0xFFFF;
	s2 =	simm.s32 @!p0 $0x1C02  }
0x59: {  	[timem:s3], [sflag:s2] =	dma.local @!p0 [hbm:s0], s1  }
0x5a: {  	s0 =	simm.s32 @!p0 $0x2  }
0x5b: {  	_ =	swait.ge @!p0 [sflag:s0], s1  }
0x5c: {  	s1 =	ssub.s32 @!p0 $0x0, s1;
	[sflag:s0] =	ssyncset.done @!p0 $0x0  }
0x5d: {  	[sflag:s0] =	ssyncadd.s32 @!p0 s1  }
0x5e: {  	[bflag:$0x3] =	sbarrier.arrive $0xFFFF  }
0x5f: {  	_ =	shalt  }

</sc_bundles>
